<compile_context>
chip_gen: v7x
topology: tpu7x:2x2x1
jax: 0.10.2.dev20260603
libtpu: 0.0.44.dev20260713+nightly
codegen_flags: <defaults>
</compile_context>

<pallas_src>
import functools

import jax
import jax.numpy as jnp
from jax import lax
from jax.experimental import pallas as pl
from jax.experimental.pallas import tpu as pltpu
from jax.experimental.pallas import tpu_sc as plsc

NUM_CORES = 2
NUM_SUBCORES = 16
NW = NUM_CORES * NUM_SUBCORES
LANES = 16


def _sc_gather(tt, idx_t):
    fields, dim, vocab = tt.shape
    batch = idx_t.shape[1]
    rows = fields * dim
    rows_per_w = rows // NW
    mesh = plsc.VectorSubcoreMesh(core_axis_name="c", subcore_axis_name="s")

    half = 50048
    rest = vocab - half

    @functools.partial(
        pl.kernel,
        mesh=mesh,
        compiler_params=pltpu.CompilerParams(
            use_tc_tiling_on_sc=True, needs_layout_passes=False
        ),
        out_type=jax.ShapeDtypeStruct((fields, dim, batch), jnp.float32),
        scratch_types=[
            pltpu.VMEM((half,), jnp.float32),
            pltpu.VMEM((rest,), jnp.float32),
            pltpu.VMEM((batch,), jnp.int32),
            pltpu.VMEM((batch,), jnp.float32),
            pltpu.SemaphoreType.DMA,
            pltpu.SemaphoreType.DMA,
        ],
    )
    def k(tt_hbm, idx_hbm, out_hbm, buf_a, buf_b, idxbuf, outbuf, sem_a, sem_b):
        wid = lax.axis_index("s") * NUM_CORES + lax.axis_index("c")
        row0 = wid * rows_per_w

        UNROLL = 16

        def dma_a(r):
            f = r // dim
            d = r % dim
            return pltpu.make_async_copy(
                tt_hbm.at[f, d, pl.ds(0, half)], buf_a, sem_a
            )

        def dma_b(r):
            f = r // dim
            d = r % dim
            return pltpu.make_async_copy(
                tt_hbm.at[f, d, pl.ds(half, rest)], buf_b, sem_b
            )

        dma_a(row0).start()
        dma_b(row0).start()

        def per_row(j, carry):
            r = row0 + j
            f = r // dim
            d = r % dim

            @pl.when((j == 0) | (d == 0))
            def _():
                pltpu.sync_copy(idx_hbm.at[f], idxbuf)

            dma_a(r).wait()

            def gather_lo(i, c):
                for u in range(UNROLL):
                    o = (i * UNROLL + u) * LANES
                    idxv = idxbuf[pl.ds(o, LANES)]
                    outbuf[pl.ds(o, LANES)] = plsc.load_gather(
                        buf_a, [jnp.minimum(idxv, half - 1)]
                    )
                return c

            lax.fori_loop(0, batch // (LANES * UNROLL), gather_lo, 0)

            @pl.when(j + 1 < rows_per_w)
            def _():
                dma_a(r + 1).start()

            dma_b(r).wait()

            def gather_hi(i, c):
                for u in range(UNROLL):
                    o = (i * UNROLL + u) * LANES
                    idxv = idxbuf[pl.ds(o, LANES)]
                    hi = plsc.load_gather(
                        buf_b,
                        [jnp.clip(idxv - half, 0, rest - 1)],
                    )
                    lo = outbuf[pl.ds(o, LANES)]
                    outbuf[pl.ds(o, LANES)] = jnp.where(idxv >= half, hi, lo)
                return c

            lax.fori_loop(0, batch // (LANES * UNROLL), gather_hi, 0)

            @pl.when(j + 1 < rows_per_w)
            def _():
                dma_b(r + 1).start()

            pltpu.sync_copy(outbuf, out_hbm.at[f, d])
            return carry

        lax.fori_loop(0, rows_per_w, per_row, 0)

    return k(tt, idx_t)


def kernel(inputs, tables):
    fields, vocab, dim = tables.shape
    batch = inputs.shape[0]
    tt = tables.transpose(0, 2, 1)
    idx_t = inputs.T
    out = _sc_gather(tt, idx_t)
    return out.transpose(2, 0, 1)

# --- scband reference (transcript-rebuilt; emitter-appended) ---
"""Pipeline reference for scband-sokembedding-755914244424 (READ-ONLY COPY).

The authoritative reference and input builder live on the scoring server;
editing this copy changes nothing except your own understanding.
"""

import jax, jax.numpy as jnp
import numpy as np

VOCAB = 100000
FIELDS = 26
DIM = 64
BATCH = 4096


def setup_inputs(seed: int = 0) -> dict:
    key = jax.random.key(seed)
    k1, k2 = jax.random.split(key)
    # [batch_size, 26] int ids, one id per sparse field, each < its table's vocab
    inputs = jax.random.randint(k1, (BATCH, FIELDS), 0, VOCAB, dtype=jnp.int32)
    # 26 embedding tables, modeled as a stacked array [FIELDS, VOCAB, DIM]
    # (each slice tables[f] corresponds to one sok.DynamicVariable of dimension DIM)
    tables = jax.random.normal(k2, (FIELDS, VOCAB, DIM), dtype=jnp.float32) * 0.01
    return {"inputs": inputs, "tables": tables}


def reference(inputs, tables):
    # sok.lookup_sparse with one id per field and 'sum' combiner reduces to a
    # plain per-field gather: emb_vectors[f] = tables[f][inputs[:, f]]
    # followed by tf.stack(emb_vectors, axis=1) -> [batch, FIELDS, DIM]
    field_idx = jnp.arange(tables.shape[0])[None, :]  # [1, FIELDS]
    stacked_emb_vectors = tables[field_idx, inputs]   # [BATCH, FIELDS, DIM]
    return stacked_emb_vectors

if __name__ == "__main__":
    import jax
    _d = setup_inputs()
    print(jax.jit(kernel)(*tuple(_d.values())))

</pallas_src>

<mosaic_0001>
#map = affine_map<(d0, d1) -> (0, 0, 0)>
#map1 = affine_map<(d0, d1) -> (0, 0)>
module attributes {stable_mosaic.version = 14 : i64} {
  func.func @k(%arg0: i32, %arg1: i32, %arg2: memref<26x64x100000xf32, #tpu.memory_space<hbm>>, %arg3: memref<26x4096xi32, #tpu.memory_space<hbm>>, %arg4: memref<26x64x4096xf32, #tpu.memory_space<hbm>>, %arg5: memref<50048xf32, #tpu.memory_space<vmem>>, %arg6: memref<49952xf32, #tpu.memory_space<vmem>>, %arg7: memref<4096xi32, #tpu.memory_space<vmem>>, %arg8: memref<4096xf32, #tpu.memory_space<vmem>>, %arg9: memref<!tpu.dma_semaphore, #tpu.memory_space<semaphore_mem>>, %arg10: memref<!tpu.dma_semaphore, #tpu.memory_space<semaphore_mem>>) attributes {dimension_semantics = [#tpu.dimension_semantics<core_parallel>, #tpu.dimension_semantics<subcore_parallel>], iteration_bounds = array<i64: 2, 16>, scalar_prefetch = 0 : i64, scratch_operands = 6 : i64, tpu.core_type = #tpu.core_type<sc_vector_subcore>, window_params = [{transform_indices = #map}, {transform_indices = #map1}, {transform_indices = #map}]} {
    %mul3A = arith.constant 2 : i32
    %mul3A_0 = arith.muli %arg1, %mul3A : i32
    %add3A = arith.addi %mul3A_0, %arg0 : i32
    %mul3A_1 = arith.constant 52 : i32
    %mul3A_2 = arith.muli %add3A, %mul3A_1 : i32
    %jit3A = arith.constant 64 : i32
    %div3A = arith.divsi %mul3A_2, %jit3A : i32
    %sign3A = arith.constant 0 : i32
    %sign3A_3 = arith.cmpi sgt, %mul3A_2, %sign3A : i32
    %sign3A_4 = arith.extui %sign3A_3 : i1 to i32
    %sign3A_5 = arith.constant 0 : i32
    %sign3A_6 = arith.cmpi slt, %mul3A_2, %sign3A_5 : i32
    %sign3A_7 = arith.extui %sign3A_6 : i1 to i32
    %sign3A_8 = arith.subi %sign3A_4, %sign3A_7 : i32
    %sign3A_9 = arith.constant 0 : i32
    %sign3A_10 = arith.cmpi sgt, %jit3A, %sign3A_9 : i32
    %sign3A_11 = arith.extui %sign3A_10 : i1 to i32
    %sign3A_12 = arith.constant 0 : i32
    %sign3A_13 = arith.cmpi slt, %jit3A, %sign3A_12 : i32
    %sign3A_14 = arith.extui %sign3A_13 : i1 to i32
    %sign3A_15 = arith.subi %sign3A_11, %sign3A_14 : i32
    %ne3A = arith.cmpi ne, %sign3A_8, %sign3A_15 : i32
    %rem3A = arith.remsi %mul3A_2, %jit3A : i32
    %ne3A_16 = arith.constant 0 : i32
    %ne3A_17 = arith.cmpi ne, %rem3A, %ne3A_16 : i32
    %and3A = arith.andi %ne3A, %ne3A_17 : i1
    %sub3A = arith.constant 1 : i32
    %sub3A_18 = arith.subi %div3A, %sub3A : i32
    %select_n3A = arith.select %and3A, %sub3A_18, %div3A : i32
    %jit3A_19 = arith.constant 64 : i32
    %eq3A = arith.constant 0 : i32
    %eq3A_20 = arith.cmpi eq, %jit3A_19, %eq3A : i32
    %jit3A_21 = arith.constant 1 : i32
    %select_n3A_22 = arith.select %eq3A_20, %jit3A_21, %jit3A_19 : i32
    %rem3A_23 = arith.remsi %mul3A_2, %select_n3A_22 : i32
    %ne3A_24 = arith.constant 0 : i32
    %ne3A_25 = arith.cmpi ne, %rem3A_23, %ne3A_24 : i32
    %lt3A = arith.constant 0 : i32
    %lt3A_26 = arith.cmpi slt, %rem3A_23, %lt3A : i32
    %lt3A_27 = arith.constant 0 : i32
    %lt3A_28 = arith.cmpi slt, %select_n3A_22, %lt3A_27 : i32
    %ne3A_29 = arith.xori %lt3A_26, %lt3A_28 : i1
    %and3A_30 = arith.andi %ne3A_29, %ne3A_25 : i1
    %add3A_31 = arith.addi %rem3A_23, %select_n3A_22 : i32
    %select_n3A_32 = arith.select %and3A_30, %add3A_31, %rem3A_23 : i32
    %dma_start3A = arith.constant 0 : i32
    %dma_start3A_33 = tpu.memref_slice %arg2[%select_n3A, %select_n3A_32, %dma_start3A] : memref<26x64x100000xf32, #tpu.memory_space<hbm>> -> memref<1x1x50048xf32, #tpu.memory_space<hbm>>
    %dma_start3A_34 = tpu.memref_squeeze %dma_start3A_33 : memref<1x1x50048xf32, #tpu.memory_space<hbm>> -> memref<50048xf32, #tpu.memory_space<hbm>>
    %dma_start3A_35 = arith.constant 0 : i32
    %dma_start3A_36 = tpu.memref_slice %arg2[%select_n3A, %select_n3A_32, %dma_start3A_35] : memref<26x64x100000xf32, #tpu.memory_space<hbm>> -> memref<1x1x50048xf32, #tpu.memory_space<hbm>>
    %dma_start3A_37 = tpu.memref_squeeze %dma_start3A_36 : memref<1x1x50048xf32, #tpu.memory_space<hbm>> -> memref<50048xf32, #tpu.memory_space<hbm>>
    tpu.enqueue_dma source(%dma_start3A_37 : memref<50048xf32, #tpu.memory_space<hbm>>) target(%arg5 : memref<50048xf32, #tpu.memory_space<vmem>>) target_semaphore(%arg9 : memref<!tpu.dma_semaphore, #tpu.memory_space<semaphore_mem>>)
    %jit3A_38 = arith.constant 64 : i32
    %div3A_39 = arith.divsi %mul3A_2, %jit3A_38 : i32
    %sign3A_40 = arith.constant 0 : i32
    %sign3A_41 = arith.cmpi sgt, %mul3A_2, %sign3A_40 : i32
    %sign3A_42 = arith.extui %sign3A_41 : i1 to i32
    %sign3A_43 = arith.constant 0 : i32
    %sign3A_44 = arith.cmpi slt, %mul3A_2, %sign3A_43 : i32
    %sign3A_45 = arith.extui %sign3A_44 : i1 to i32
    %sign3A_46 = arith.subi %sign3A_42, %sign3A_45 : i32
    %sign3A_47 = arith.constant 0 : i32
    %sign3A_48 = arith.cmpi sgt, %jit3A_38, %sign3A_47 : i32
    %sign3A_49 = arith.extui %sign3A_48 : i1 to i32
    %sign3A_50 = arith.constant 0 : i32
    %sign3A_51 = arith.cmpi slt, %jit3A_38, %sign3A_50 : i32
    %sign3A_52 = arith.extui %sign3A_51 : i1 to i32
    %sign3A_53 = arith.subi %sign3A_49, %sign3A_52 : i32
    %ne3A_54 = arith.cmpi ne, %sign3A_46, %sign3A_53 : i32
    %rem3A_55 = arith.remsi %mul3A_2, %jit3A_38 : i32
    %ne3A_56 = arith.constant 0 : i32
    %ne3A_57 = arith.cmpi ne, %rem3A_55, %ne3A_56 : i32
    %and3A_58 = arith.andi %ne3A_54, %ne3A_57 : i1
    %sub3A_59 = arith.constant 1 : i32
    %sub3A_60 = arith.subi %div3A_39, %sub3A_59 : i32
    %select_n3A_61 = arith.select %and3A_58, %sub3A_60, %div3A_39 : i32
    %jit3A_62 = arith.constant 64 : i32
    %eq3A_63 = arith.constant 0 : i32
    %eq3A_64 = arith.cmpi eq, %jit3A_62, %eq3A_63 : i32
    %jit3A_65 = arith.constant 1 : i32
    %select_n3A_66 = arith.select %eq3A_64, %jit3A_65, %jit3A_62 : i32
    %rem3A_67 = arith.remsi %mul3A_2, %select_n3A_66 : i32
    %ne3A_68 = arith.constant 0 : i32
    %ne3A_69 = arith.cmpi ne, %rem3A_67, %ne3A_68 : i32
    %lt3A_70 = arith.constant 0 : i32
    %lt3A_71 = arith.cmpi slt, %rem3A_67, %lt3A_70 : i32
    %lt3A_72 = arith.constant 0 : i32
    %lt3A_73 = arith.cmpi slt, %select_n3A_66, %lt3A_72 : i32
    %ne3A_74 = arith.xori %lt3A_71, %lt3A_73 : i1
    %and3A_75 = arith.andi %ne3A_74, %ne3A_69 : i1
    %add3A_76 = arith.addi %rem3A_67, %select_n3A_66 : i32
    %select_n3A_77 = arith.select %and3A_75, %add3A_76, %rem3A_67 : i32
    %dma_start3A_78 = arith.constant 50048 : i32
    %dma_start3A_79 = tpu.memref_slice %arg2[%select_n3A_61, %select_n3A_77, %dma_start3A_78] : memref<26x64x100000xf32, #tpu.memory_space<hbm>> -> memref<1x1x49952xf32, #tpu.memory_space<hbm>>
    %dma_start3A_80 = tpu.memref_squeeze %dma_start3A_79 : memref<1x1x49952xf32, #tpu.memory_space<hbm>> -> memref<49952xf32, #tpu.memory_space<hbm>>
    %dma_start3A_81 = arith.constant 50048 : i32
    %dma_start3A_82 = tpu.memref_slice %arg2[%select_n3A_61, %select_n3A_77, %dma_start3A_81] : memref<26x64x100000xf32, #tpu.memory_space<hbm>> -> memref<1x1x49952xf32, #tpu.memory_space<hbm>>
    %dma_start3A_83 = tpu.memref_squeeze %dma_start3A_82 : memref<1x1x49952xf32, #tpu.memory_space<hbm>> -> memref<49952xf32, #tpu.memory_space<hbm>>
    tpu.enqueue_dma source(%dma_start3A_83 : memref<49952xf32, #tpu.memory_space<hbm>>) target(%arg6 : memref<49952xf32, #tpu.memory_space<vmem>>) target_semaphore(%arg10 : memref<!tpu.dma_semaphore, #tpu.memory_space<semaphore_mem>>)
    %scan3A = arith.constant 0 : i32
    %scan3A_84 = arith.constant 0 : i32
    %scan3A_85 = arith.constant 52 : i32
    %scan3A_86 = arith.addi %scan3A_84, %scan3A_85 : i32
    %scan3A_87 = arith.constant 1 : i32
    scf.for %scan3A_89 = %scan3A_84 to %scan3A_86 step %scan3A_87  : i32 {
      %add3A_90 = arith.addi %mul3A_2, %scan3A_89 : i32
      %jit3A_91 = arith.constant 64 : i32
      %div3A_92 = arith.divsi %add3A_90, %jit3A_91 : i32
      %sign3A_93 = arith.constant 0 : i32
      %sign3A_94 = arith.cmpi sgt, %add3A_90, %sign3A_93 : i32
      %sign3A_95 = arith.extui %sign3A_94 : i1 to i32
      %sign3A_96 = arith.constant 0 : i32
      %sign3A_97 = arith.cmpi slt, %add3A_90, %sign3A_96 : i32
      %sign3A_98 = arith.extui %sign3A_97 : i1 to i32
      %sign3A_99 = arith.subi %sign3A_95, %sign3A_98 : i32
      %sign3A_100 = arith.constant 0 : i32
      %sign3A_101 = arith.cmpi sgt, %jit3A_91, %sign3A_100 : i32
      %sign3A_102 = arith.extui %sign3A_101 : i1 to i32
      %sign3A_103 = arith.constant 0 : i32
      %sign3A_104 = arith.cmpi slt, %jit3A_91, %sign3A_103 : i32
      %sign3A_105 = arith.extui %sign3A_104 : i1 to i32
      %sign3A_106 = arith.subi %sign3A_102, %sign3A_105 : i32
      %ne3A_107 = arith.cmpi ne, %sign3A_99, %sign3A_106 : i32
      %rem3A_108 = arith.remsi %add3A_90, %jit3A_91 : i32
      %ne3A_109 = arith.constant 0 : i32
      %ne3A_110 = arith.cmpi ne, %rem3A_108, %ne3A_109 : i32
      %and3A_111 = arith.andi %ne3A_107, %ne3A_110 : i1
      %sub3A_112 = arith.constant 1 : i32
      %sub3A_113 = arith.subi %div3A_92, %sub3A_112 : i32
      %select_n3A_114 = arith.select %and3A_111, %sub3A_113, %div3A_92 : i32
      %jit3A_115 = arith.constant 64 : i32
      %eq3A_116 = arith.constant 0 : i32
      %eq3A_117 = arith.cmpi eq, %jit3A_115, %eq3A_116 : i32
      %jit3A_118 = arith.constant 1 : i32
      %select_n3A_119 = arith.select %eq3A_117, %jit3A_118, %jit3A_115 : i32
      %rem3A_120 = arith.remsi %add3A_90, %select_n3A_119 : i32
      %ne3A_121 = arith.constant 0 : i32
      %ne3A_122 = arith.cmpi ne, %rem3A_120, %ne3A_121 : i32
      %lt3A_123 = arith.constant 0 : i32
      %lt3A_124 = arith.cmpi slt, %rem3A_120, %lt3A_123 : i32
      %lt3A_125 = arith.constant 0 : i32
      %lt3A_126 = arith.cmpi slt, %select_n3A_119, %lt3A_125 : i32
      %ne3A_127 = arith.xori %lt3A_124, %lt3A_126 : i1
      %and3A_128 = arith.andi %ne3A_127, %ne3A_122 : i1
      %add3A_129 = arith.addi %rem3A_120, %select_n3A_119 : i32
      %select_n3A_130 = arith.select %and3A_128, %add3A_129, %rem3A_120 : i32
      %eq3A_131 = arith.constant 0 : i32
      %eq3A_132 = arith.cmpi eq, %scan3A_89, %eq3A_131 : i32
      %eq3A_133 = arith.constant 0 : i32
      %eq3A_134 = arith.cmpi eq, %select_n3A_130, %eq3A_133 : i32
      %or3A = arith.ori %eq3A_132, %eq3A_134 : i1
      %convert_element_type3A = arith.extui %or3A : i1 to i32
      %cond3A = arith.constant 0 : i32
      %cond3A_135 = arith.cmpi ne, %convert_element_type3A, %cond3A : i32
      scf.if %cond3A_135 {
        "tpu.region"() ({
          %run_scoped3A = tpu.sem_alloc : memref<!tpu.dma_semaphore, #tpu.memory_space<semaphore_mem>>
          %dma_start3A_253 = arith.constant 0 : i32
          %dma_start3A_254 = tpu.memref_slice %arg3[%select_n3A_114, %dma_start3A_253] : memref<26x4096xi32, #tpu.memory_space<hbm>> -> memref<1x4096xi32, #tpu.memory_space<hbm>>
          %dma_start3A_255 = tpu.memref_squeeze %dma_start3A_254 : memref<1x4096xi32, #tpu.memory_space<hbm>> -> memref<4096xi32, #tpu.memory_space<hbm>>
          %dma_start3A_256 = arith.constant 0 : i32
          %dma_start3A_257 = tpu.memref_slice %arg3[%select_n3A_114, %dma_start3A_256] : memref<26x4096xi32, #tpu.memory_space<hbm>> -> memref<1x4096xi32, #tpu.memory_space<hbm>>
          %dma_start3A_258 = tpu.memref_squeeze %dma_start3A_257 : memref<1x4096xi32, #tpu.memory_space<hbm>> -> memref<4096xi32, #tpu.memory_space<hbm>>
          tpu.enqueue_dma source(%dma_start3A_258 : memref<4096xi32, #tpu.memory_space<hbm>>) target(%arg7 : memref<4096xi32, #tpu.memory_space<vmem>>) target_semaphore(%run_scoped3A : memref<!tpu.dma_semaphore, #tpu.memory_space<semaphore_mem>>)
          %dma_wait3A_259 = arith.constant 0 : i32
          %dma_wait3A_260 = tpu.memref_slice %arg3[%select_n3A_114, %dma_wait3A_259] : memref<26x4096xi32, #tpu.memory_space<hbm>> -> memref<1x4096xi32, #tpu.memory_space<hbm>>
          %dma_wait3A_261 = tpu.memref_squeeze %dma_wait3A_260 : memref<1x4096xi32, #tpu.memory_space<hbm>> -> memref<4096xi32, #tpu.memory_space<hbm>>
          %dma_wait3A_262 = arith.constant 0 : i32
          %dma_wait3A_263 = tpu.memref_slice %arg3[%select_n3A_114, %dma_wait3A_262] : memref<26x4096xi32, #tpu.memory_space<hbm>> -> memref<1x4096xi32, #tpu.memory_space<hbm>>
          %dma_wait3A_264 = tpu.memref_squeeze %dma_wait3A_263 : memref<1x4096xi32, #tpu.memory_space<hbm>> -> memref<4096xi32, #tpu.memory_space<hbm>>
          tpu.wait_dma2 semaphore(%run_scoped3A : memref<!tpu.dma_semaphore, #tpu.memory_space<semaphore_mem>>) src(%dma_wait3A_264 : memref<4096xi32, #tpu.memory_space<hbm>>) dst(%arg7 : memref<4096xi32, #tpu.memory_space<vmem>>)
          tpu.yield
        }) : () -> ()
      } else {
      }
      %jit3A_136 = arith.constant 64 : i32
      %div3A_137 = arith.divsi %add3A_90, %jit3A_136 : i32
      %sign3A_138 = arith.constant 0 : i32
      %sign3A_139 = arith.cmpi sgt, %add3A_90, %sign3A_138 : i32
      %sign3A_140 = arith.extui %sign3A_139 : i1 to i32
      %sign3A_141 = arith.constant 0 : i32
      %sign3A_142 = arith.cmpi slt, %add3A_90, %sign3A_141 : i32
      %sign3A_143 = arith.extui %sign3A_142 : i1 to i32
      %sign3A_144 = arith.subi %sign3A_140, %sign3A_143 : i32
      %sign3A_145 = arith.constant 0 : i32
      %sign3A_146 = arith.cmpi sgt, %jit3A_136, %sign3A_145 : i32
      %sign3A_147 = arith.extui %sign3A_146 : i1 to i32
      %sign3A_148 = arith.constant 0 : i32
      %sign3A_149 = arith.cmpi slt, %jit3A_136, %sign3A_148 : i32
      %sign3A_150 = arith.extui %sign3A_149 : i1 to i32
      %sign3A_151 = arith.subi %sign3A_147, %sign3A_150 : i32
      %ne3A_152 = arith.cmpi ne, %sign3A_144, %sign3A_151 : i32
      %rem3A_153 = arith.remsi %add3A_90, %jit3A_136 : i32
      %ne3A_154 = arith.constant 0 : i32
      %ne3A_155 = arith.cmpi ne, %rem3A_153, %ne3A_154 : i32
      %and3A_156 = arith.andi %ne3A_152, %ne3A_155 : i1
      %sub3A_157 = arith.constant 1 : i32
      %sub3A_158 = arith.subi %div3A_137, %sub3A_157 : i32
      %select_n3A_159 = arith.select %and3A_156, %sub3A_158, %div3A_137 : i32
      %jit3A_160 = arith.constant 64 : i32
      %eq3A_161 = arith.constant 0 : i32
      %eq3A_162 = arith.cmpi eq, %jit3A_160, %eq3A_161 : i32
      %jit3A_163 = arith.constant 1 : i32
      %select_n3A_164 = arith.select %eq3A_162, %jit3A_163, %jit3A_160 : i32
      %rem3A_165 = arith.remsi %add3A_90, %select_n3A_164 : i32
      %ne3A_166 = arith.constant 0 : i32
      %ne3A_167 = arith.cmpi ne, %rem3A_165, %ne3A_166 : i32
      %lt3A_168 = arith.constant 0 : i32
      %lt3A_169 = arith.cmpi slt, %rem3A_165, %lt3A_168 : i32
      %lt3A_170 = arith.constant 0 : i32
      %lt3A_171 = arith.cmpi slt, %select_n3A_164, %lt3A_170 : i32
      %ne3A_172 = arith.xori %lt3A_169, %lt3A_171 : i1
      %and3A_173 = arith.andi %ne3A_172, %ne3A_167 : i1
      %add3A_174 = arith.addi %rem3A_165, %select_n3A_164 : i32
      %select_n3A_175 = arith.select %and3A_173, %add3A_174, %rem3A_165 : i32
      %dma_wait3A = arith.constant 0 : i32
      %dma_wait3A_176 = tpu.memref_slice %arg2[%select_n3A_159, %select_n3A_175, %dma_wait3A] : memref<26x64x100000xf32, #tpu.memory_space<hbm>> -> memref<1x1x50048xf32, #tpu.memory_space<hbm>>
      %dma_wait3A_177 = tpu.memref_squeeze %dma_wait3A_176 : memref<1x1x50048xf32, #tpu.memory_space<hbm>> -> memref<50048xf32, #tpu.memory_space<hbm>>
      %dma_wait3A_178 = arith.constant 0 : i32
      %dma_wait3A_179 = tpu.memref_slice %arg2[%select_n3A_159, %select_n3A_175, %dma_wait3A_178] : memref<26x64x100000xf32, #tpu.memory_space<hbm>> -> memref<1x1x50048xf32, #tpu.memory_space<hbm>>
      %dma_wait3A_180 = tpu.memref_squeeze %dma_wait3A_179 : memref<1x1x50048xf32, #tpu.memory_space<hbm>> -> memref<50048xf32, #tpu.memory_space<hbm>>
      tpu.wait_dma2 semaphore(%arg9 : memref<!tpu.dma_semaphore, #tpu.memory_space<semaphore_mem>>) src(%dma_wait3A_180 : memref<50048xf32, #tpu.memory_space<hbm>>) dst(%arg5 : memref<50048xf32, #tpu.memory_space<vmem>>)
      %scan3A_181 = arith.constant 0 : i32
      %scan3A_182 = arith.constant 0 : i32
      %scan3A_183 = arith.constant 16 : i32
      %scan3A_184 = arith.addi %scan3A_182, %scan3A_183 : i32
      %scan3A_185 = arith.constant 1 : i32
      scf.for %scan3A_253 = %scan3A_182 to %scan3A_184 step %scan3A_185  : i32 {
        %mul3A_254 = arith.constant 16 : i32
        %mul3A_255 = arith.muli %scan3A_253, %mul3A_254 : i32
        %add3A_256 = arith.constant 0 : i32
        %add3A_257 = arith.addi %mul3A_255, %add3A_256 : i32
        %mul3A_258 = arith.constant 16 : i32
        %mul3A_259 = arith.muli %add3A_257, %mul3A_258 : i32
        %get3A = arith.index_cast %mul3A_259 : i32 to index
        %get3A_260 = tpu.vector_load %arg7[%get3A] {strides = array<i32>} : memref<4096xi32, #tpu.memory_space<vmem>>, vector<16xi32>,
        %min3A = arith.constant 50047 : i32
        %min3A_261 = vector.broadcast %min3A : i32 to vector<16xi32>
        %min3A_262 = arith.minsi %get3A_260, %min3A_261 : vector<16xi32>
        %gather3A = tpu.vector_load_idx %arg5[%min3A_262] : memref<50048xf32, #tpu.memory_space<vmem>>[vector<16xi32>], vector<16xf32>,
        %swap3A = arith.index_cast %mul3A_259 : i32 to index
        %swap3A_263 = tpu.vector_load %arg8[%swap3A] {strides = array<i32>} : memref<4096xf32, #tpu.memory_space<vmem>>, vector<16xf32>,
        tpu.vector_store %arg8[%swap3A], %gather3A {strides = array<i32>} : memref<4096xf32, #tpu.memory_space<vmem>>, vector<16xf32>,
        %mul3A_264 = arith.constant 16 : i32
        %mul3A_265 = arith.muli %scan3A_253, %mul3A_264 : i32
        %add3A_266 = arith.constant 1 : i32
        %add3A_267 = arith.addi %mul3A_265, %add3A_266 : i32
        %mul3A_268 = arith.constant 16 : i32
        %mul3A_269 = arith.muli %add3A_267, %mul3A_268 : i32
        %get3A_270 = arith.index_cast %mul3A_269 : i32 to index
        %get3A_271 = tpu.vector_load %arg7[%get3A_270] {strides = array<i32>} : memref<4096xi32, #tpu.memory_space<vmem>>, vector<16xi32>,
        %min3A_272 = arith.constant 50047 : i32
        %min3A_273 = vector.broadcast %min3A_272 : i32 to vector<16xi32>
        %min3A_274 = arith.minsi %get3A_271, %min3A_273 : vector<16xi32>
        %gather3A_275 = tpu.vector_load_idx %arg5[%min3A_274] : memref<50048xf32, #tpu.memory_space<vmem>>[vector<16xi32>], vector<16xf32>,
        %swap3A_276 = arith.index_cast %mul3A_269 : i32 to index
        %swap3A_277 = tpu.vector_load %arg8[%swap3A_276] {strides = array<i32>} : memref<4096xf32, #tpu.memory_space<vmem>>, vector<16xf32>,
        tpu.vector_store %arg8[%swap3A_276], %gather3A_275 {strides = array<i32>} : memref<4096xf32, #tpu.memory_space<vmem>>, vector<16xf32>,
        %mul3A_278 = arith.constant 16 : i32
        %mul3A_279 = arith.muli %scan3A_253, %mul3A_278 : i32
        %add3A_280 = arith.constant 2 : i32
        %add3A_281 = arith.addi %mul3A_279, %add3A_280 : i32
        %mul3A_282 = arith.constant 16 : i32
        %mul3A_283 = arith.muli %add3A_281, %mul3A_282 : i32
        %get3A_284 = arith.index_cast %mul3A_283 : i32 to index
        %get3A_285 = tpu.vector_load %arg7[%get3A_284] {strides = array<i32>} : memref<4096xi32, #tpu.memory_space<vmem>>, vector<16xi32>,
        %min3A_286 = arith.constant 50047 : i32
        %min3A_287 = vector.broadcast %min3A_286 : i32 to vector<16xi32>
        %min3A_288 = arith.minsi %get3A_285, %min3A_287 : vector<16xi32>
        %gather3A_289 = tpu.vector_load_idx %arg5[%min3A_288] : memref<50048xf32, #tpu.memory_space<vmem>>[vector<16xi32>], vector<16xf32>,
        %swap3A_290 = arith.index_cast %mul3A_283 : i32 to index
        %swap3A_291 = tpu.vector_load %arg8[%swap3A_290] {strides = array<i32>} : memref<4096xf32, #tpu.memory_space<vmem>>, vector<16xf32>,
        tpu.vector_store %arg8[%swap3A_290], %gather3A_289 {strides = array<i32>} : memref<4096xf32, #tpu.memory_space<vmem>>, vector<16xf32>,
        %mul3A_292 = arith.constant 16 : i32
        %mul3A_293 = arith.muli %scan3A_253, %mul3A_292 : i32
        %add3A_294 = arith.constant 3 : i32
        %add3A_295 = arith.addi %mul3A_293, %add3A_294 : i32
        %mul3A_296 = arith.constant 16 : i32
        %mul3A_297 = arith.muli %add3A_295, %mul3A_296 : i32
        %get3A_298 = arith.index_cast %mul3A_297 : i32 to index
        %get3A_299 = tpu.vector_load %arg7[%get3A_298] {strides = array<i32>} : memref<4096xi32, #tpu.memory_space<vmem>>, vector<16xi32>,
        %min3A_300 = arith.constant 50047 : i32
        %min3A_301 = vector.broadcast %min3A_300 : i32 to vector<16xi32>
        %min3A_302 = arith.minsi %get3A_299, %min3A_301 : vector<16xi32>
        %gather3A_303 = tpu.vector_load_idx %arg5[%min3A_302] : memref<50048xf32, #tpu.memory_space<vmem>>[vector<16xi32>], vector<16xf32>,
        %swap3A_304 = arith.index_cast %mul3A_297 : i32 to index
        %swap3A_305 = tpu.vector_load %arg8[%swap3A_304] {strides = array<i32>} : memref<4096xf32, #tpu.memory_space<vmem>>, vector<16xf32>,
        tpu.vector_store %arg8[%swap3A_304], %gather3A_303 {strides = array<i32>} : memref<4096xf32, #tpu.memory_space<vmem>>, vector<16xf32>,
        %mul3A_306 = arith.constant 16 : i32
        %mul3A_307 = arith.muli %scan3A_253, %mul3A_306 : i32
        %add3A_308 = arith.constant 4 : i32
        %add3A_309 = arith.addi %mul3A_307, %add3A_308 : i32
        %mul3A_310 = arith.constant 16 : i32
        %mul3A_311 = arith.muli %add3A_309, %mul3A_310 : i32
        %get3A_312 = arith.index_cast %mul3A_311 : i32 to index
        %get3A_313 = tpu.vector_load %arg7[%get3A_312] {strides = array<i32>} : memref<4096xi32, #tpu.memory_space<vmem>>, vector<16xi32>,
        %min3A_314 = arith.constant 50047 : i32
        %min3A_315 = vector.broadcast %min3A_314 : i32 to vector<16xi32>
        %min3A_316 = arith.minsi %get3A_313, %min3A_315 : vector<16xi32>
        %gather3A_317 = tpu.vector_load_idx %arg5[%min3A_316] : memref<50048xf32, #tpu.memory_space<vmem>>[vector<16xi32>], vector<16xf32>,
        %swap3A_318 = arith.index_cast %mul3A_311 : i32 to index
        %swap3A_319 = tpu.vector_load %arg8[%swap3A_318] {strides = array<i32>} : memref<4096xf32, #tpu.memory_space<vmem>>, vector<16xf32>,
        tpu.vector_store %arg8[%swap3A_318], %gather3A_317 {strides = array<i32>} : memref<4096xf32, #tpu.memory_space<vmem>>, vector<16xf32>,
        %mul3A_320 = arith.constant 16 : i32
        %mul3A_321 = arith.muli %scan3A_253, %mul3A_320 : i32
        %add3A_322 = arith.constant 5 : i32
        %add3A_323 = arith.addi %mul3A_321, %add3A_322 : i32
        %mul3A_324 = arith.constant 16 : i32
        %mul3A_325 = arith.muli %add3A_323, %mul3A_324 : i32
        %get3A_326 = arith.index_cast %mul3A_325 : i32 to index
        %get3A_327 = tpu.vector_load %arg7[%get3A_326] {strides = array<i32>} : memref<4096xi32, #tpu.memory_space<vmem>>, vector<16xi32>,
        %min3A_328 = arith.constant 50047 : i32
        %min3A_329 = vector.broadcast %min3A_328 : i32 to vector<16xi32>
        %min3A_330 = arith.minsi %get3A_327, %min3A_329 : vector<16xi32>
        %gather3A_331 = tpu.vector_load_idx %arg5[%min3A_330] : memref<50048xf32, #tpu.memory_space<vmem>>[vector<16xi32>], vector<16xf32>,
        %swap3A_332 = arith.index_cast %mul3A_325 : i32 to index
        %swap3A_333 = tpu.vector_load %arg8[%swap3A_332] {strides = array<i32>} : memref<4096xf32, #tpu.memory_space<vmem>>, vector<16xf32>,
        tpu.vector_store %arg8[%swap3A_332], %gather3A_331 {strides = array<i32>} : memref<4096xf32, #tpu.memory_space<vmem>>, vector<16xf32>,
        %mul3A_334 = arith.constant 16 : i32
        %mul3A_335 = arith.muli %scan3A_253, %mul3A_334 : i32
        %add3A_336 = arith.constant 6 : i32
        %add3A_337 = arith.addi %mul3A_335, %add3A_336 : i32
        %mul3A_338 = arith.constant 16 : i32
        %mul3A_339 = arith.muli %add3A_337, %mul3A_338 : i32
        %get3A_340 = arith.index_cast %mul3A_339 : i32 to index
        %get3A_341 = tpu.vector_load %arg7[%get3A_340] {strides = array<i32>} : memref<4096xi32, #tpu.memory_space<vmem>>, vector<16xi32>,
        %min3A_342 = arith.constant 50047 : i32
        %min3A_343 = vector.broadcast %min3A_342 : i32 to vector<16xi32>
        %min3A_344 = arith.minsi %get3A_341, %min3A_343 : vector<16xi32>
        %gather3A_345 = tpu.vector_load_idx %arg5[%min3A_344] : memref<50048xf32, #tpu.memory_space<vmem>>[vector<16xi32>], vector<16xf32>,
        %swap3A_346 = arith.index_cast %mul3A_339 : i32 to index
        %swap3A_347 = tpu.vector_load %arg8[%swap3A_346] {strides = array<i32>} : memref<4096xf32, #tpu.memory_space<vmem>>, vector<16xf32>,
        tpu.vector_store %arg8[%swap3A_346], %gather3A_345 {strides = array<i32>} : memref<4096xf32, #tpu.memory_space<vmem>>, vector<16xf32>,
        %mul3A_348 = arith.constant 16 : i32
        %mul3A_349 = arith.muli %scan3A_253, %mul3A_348 : i32
        %add3A_350 = arith.constant 7 : i32
        %add3A_351 = arith.addi %mul3A_349, %add3A_350 : i32
        %mul3A_352 = arith.constant 16 : i32
        %mul3A_353 = arith.muli %add3A_351, %mul3A_352 : i32
        %get3A_354 = arith.index_cast %mul3A_353 : i32 to index
        %get3A_355 = tpu.vector_load %arg7[%get3A_354] {strides = array<i32>} : memref<4096xi32, #tpu.memory_space<vmem>>, vector<16xi32>,
        %min3A_356 = arith.constant 50047 : i32
        %min3A_357 = vector.broadcast %min3A_356 : i32 to vector<16xi32>
        %min3A_358 = arith.minsi %get3A_355, %min3A_357 : vector<16xi32>
        %gather3A_359 = tpu.vector_load_idx %arg5[%min3A_358] : memref<50048xf32, #tpu.memory_space<vmem>>[vector<16xi32>], vector<16xf32>,
        %swap3A_360 = arith.index_cast %mul3A_353 : i32 to index
        %swap3A_361 = tpu.vector_load %arg8[%swap3A_360] {strides = array<i32>} : memref<4096xf32, #tpu.memory_space<vmem>>, vector<16xf32>,
        tpu.vector_store %arg8[%swap3A_360], %gather3A_359 {strides = array<i32>} : memref<4096xf32, #tpu.memory_space<vmem>>, vector<16xf32>,
        %mul3A_362 = arith.constant 16 : i32
        %mul3A_363 = arith.muli %scan3A_253, %mul3A_362 : i32
        %add3A_364 = arith.constant 8 : i32
        %add3A_365 = arith.addi %mul3A_363, %add3A_364 : i32
        %mul3A_366 = arith.constant 16 : i32
        %mul3A_367 = arith.muli %add3A_365, %mul3A_366 : i32
        %get3A_368 = arith.index_cast %mul3A_367 : i32 to index
        %get3A_369 = tpu.vector_load %arg7[%get3A_368] {strides = array<i32>} : memref<4096xi32, #tpu.memory_space<vmem>>, vector<16xi32>,
        %min3A_370 = arith.constant 50047 : i32
        %min3A_371 = vector.broadcast %min3A_370 : i32 to vector<16xi32>
        %min3A_372 = arith.minsi %get3A_369, %min3A_371 : vector<16xi32>
        %gather3A_373 = tpu.vector_load_idx %arg5[%min3A_372] : memref<50048xf32, #tpu.memory_space<vmem>>[vector<16xi32>], vector<16xf32>,
        %swap3A_374 = arith.index_cast %mul3A_367 : i32 to index
        %swap3A_375 = tpu.vector_load %arg8[%swap3A_374] {strides = array<i32>} : memref<4096xf32, #tpu.memory_space<vmem>>, vector<16xf32>,
        tpu.vector_store %arg8[%swap3A_374], %gather3A_373 {strides = array<i32>} : memref<4096xf32, #tpu.memory_space<vmem>>, vector<16xf32>,
        %mul3A_376 = arith.constant 16 : i32
        %mul3A_377 = arith.muli %scan3A_253, %mul3A_376 : i32
        %add3A_378 = arith.constant 9 : i32
        %add3A_379 = arith.addi %mul3A_377, %add3A_378 : i32
        %mul3A_380 = arith.constant 16 : i32
        %mul3A_381 = arith.muli %add3A_379, %mul3A_380 : i32
        %get3A_382 = arith.index_cast %mul3A_381 : i32 to index
        %get3A_383 = tpu.vector_load %arg7[%get3A_382] {strides = array<i32>} : memref<4096xi32, #tpu.memory_space<vmem>>, vector<16xi32>,
        %min3A_384 = arith.constant 50047 : i32
        %min3A_385 = vector.broadcast %min3A_384 : i32 to vector<16xi32>
        %min3A_386 = arith.minsi %get3A_383, %min3A_385 : vector<16xi32>
        %gather3A_387 = tpu.vector_load_idx %arg5[%min3A_386] : memref<50048xf32, #tpu.memory_space<vmem>>[vector<16xi32>], vector<16xf32>,
        %swap3A_388 = arith.index_cast %mul3A_381 : i32 to index
        %swap3A_389 = tpu.vector_load %arg8[%swap3A_388] {strides = array<i32>} : memref<4096xf32, #tpu.memory_space<vmem>>, vector<16xf32>,
        tpu.vector_store %arg8[%swap3A_388], %gather3A_387 {strides = array<i32>} : memref<4096xf32, #tpu.memory_space<vmem>>, vector<16xf32>,
        %mul3A_390 = arith.constant 16 : i32
        %mul3A_391 = arith.muli %scan3A_253, %mul3A_390 : i32
        %add3A_392 = arith.constant 10 : i32
        %add3A_393 = arith.addi %mul3A_391, %add3A_392 : i32
        %mul3A_394 = arith.constant 16 : i32
        %mul3A_395 = arith.muli %add3A_393, %mul3A_394 : i32
        %get3A_396 = arith.index_cast %mul3A_395 : i32 to index
        %get3A_397 = tpu.vector_load %arg7[%get3A_396] {strides = array<i32>} : memref<4096xi32, #tpu.memory_space<vmem>>, vector<16xi32>,
        %min3A_398 = arith.constant 50047 : i32
        %min3A_399 = vector.broadcast %min3A_398 : i32 to vector<16xi32>
        %min3A_400 = arith.minsi %get3A_397, %min3A_399 : vector<16xi32>
        %gather3A_401 = tpu.vector_load_idx %arg5[%min3A_400] : memref<50048xf32, #tpu.memory_space<vmem>>[vector<16xi32>], vector<16xf32>,
        %swap3A_402 = arith.index_cast %mul3A_395 : i32 to index
        %swap3A_403 = tpu.vector_load %arg8[%swap3A_402] {strides = array<i32>} : memref<4096xf32, #tpu.memory_space<vmem>>, vector<16xf32>,
        tpu.vector_store %arg8[%swap3A_402], %gather3A_401 {strides = array<i32>} : memref<4096xf32, #tpu.memory_space<vmem>>, vector<16xf32>,
        %mul3A_404 = arith.constant 16 : i32
        %mul3A_405 = arith.muli %scan3A_253, %mul3A_404 : i32
        %add3A_406 = arith.constant 11 : i32
        %add3A_407 = arith.addi %mul3A_405, %add3A_406 : i32
        %mul3A_408 = arith.constant 16 : i32
        %mul3A_409 = arith.muli %add3A_407, %mul3A_408 : i32
        %get3A_410 = arith.index_cast %mul3A_409 : i32 to index
        %get3A_411 = tpu.vector_load %arg7[%get3A_410] {strides = array<i32>} : memref<4096xi32, #tpu.memory_space<vmem>>, vector<16xi32>,
        %min3A_412 = arith.constant 50047 : i32
        %min3A_413 = vector.broadcast %min3A_412 : i32 to vector<16xi32>
        %min3A_414 = arith.minsi %get3A_411, %min3A_413 : vector<16xi32>
        %gather3A_415 = tpu.vector_load_idx %arg5[%min3A_414] : memref<50048xf32, #tpu.memory_space<vmem>>[vector<16xi32>], vector<16xf32>,
        %swap3A_416 = arith.index_cast %mul3A_409 : i32 to index
        %swap3A_417 = tpu.vector_load %arg8[%swap3A_416] {strides = array<i32>} : memref<4096xf32, #tpu.memory_space<vmem>>, vector<16xf32>,
        tpu.vector_store %arg8[%swap3A_416], %gather3A_415 {strides = array<i32>} : memref<4096xf32, #tpu.memory_space<vmem>>, vector<16xf32>,
        %mul3A_418 = arith.constant 16 : i32
        %mul3A_419 = arith.muli %scan3A_253, %mul3A_418 : i32
        %add3A_420 = arith.constant 12 : i32
        %add3A_421 = arith.addi %mul3A_419, %add3A_420 : i32
        %mul3A_422 = arith.constant 16 : i32
        %mul3A_423 = arith.muli %add3A_421, %mul3A_422 : i32
        %get3A_424 = arith.index_cast %mul3A_423 : i32 to index
        %get3A_425 = tpu.vector_load %arg7[%get3A_424] {strides = array<i32>} : memref<4096xi32, #tpu.memory_space<vmem>>, vector<16xi32>,
        %min3A_426 = arith.constant 50047 : i32
        %min3A_427 = vector.broadcast %min3A_426 : i32 to vector<16xi32>
        %min3A_428 = arith.minsi %get3A_425, %min3A_427 : vector<16xi32>
        %gather3A_429 = tpu.vector_load_idx %arg5[%min3A_428] : memref<50048xf32, #tpu.memory_space<vmem>>[vector<16xi32>], vector<16xf32>,
        %swap3A_430 = arith.index_cast %mul3A_423 : i32 to index
        %swap3A_431 = tpu.vector_load %arg8[%swap3A_430] {strides = array<i32>} : memref<4096xf32, #tpu.memory_space<vmem>>, vector<16xf32>,
        tpu.vector_store %arg8[%swap3A_430], %gather3A_429 {strides = array<i32>} : memref<4096xf32, #tpu.memory_space<vmem>>, vector<16xf32>,
        %mul3A_432 = arith.constant 16 : i32
        %mul3A_433 = arith.muli %scan3A_253, %mul3A_432 : i32
        %add3A_434 = arith.constant 13 : i32
        %add3A_435 = arith.addi %mul3A_433, %add3A_434 : i32
        %mul3A_436 = arith.constant 16 : i32
        %mul3A_437 = arith.muli %add3A_435, %mul3A_436 : i32
        %get3A_438 = arith.index_cast %mul3A_437 : i32 to index
        %get3A_439 = tpu.vector_load %arg7[%get3A_438] {strides = array<i32>} : memref<4096xi32, #tpu.memory_space<vmem>>, vector<16xi32>,
        %min3A_440 = arith.constant 50047 : i32
        %min3A_441 = vector.broadcast %min3A_440 : i32 to vector<16xi32>
        %min3A_442 = arith.minsi %get3A_439, %min3A_441 : vector<16xi32>
        %gather3A_443 = tpu.vector_load_idx %arg5[%min3A_442] : memref<50048xf32, #tpu.memory_space<vmem>>[vector<16xi32>], vector<16xf32>,
        %swap3A_444 = arith.index_cast %mul3A_437 : i32 to index
        %swap3A_445 = tpu.vector_load %arg8[%swap3A_444] {strides = array<i32>} : memref<4096xf32, #tpu.memory_space<vmem>>, vector<16xf32>,
        tpu.vector_store %arg8[%swap3A_444], %gather3A_443 {strides = array<i32>} : memref<4096xf32, #tpu.memory_space<vmem>>, vector<16xf32>,
        %mul3A_446 = arith.constant 16 : i32
        %mul3A_447 = arith.muli %scan3A_253, %mul3A_446 : i32
        %add3A_448 = arith.constant 14 : i32
        %add3A_449 = arith.addi %mul3A_447, %add3A_448 : i32
        %mul3A_450 = arith.constant 16 : i32
        %mul3A_451 = arith.muli %add3A_449, %mul3A_450 : i32
        %get3A_452 = arith.index_cast %mul3A_451 : i32 to index
        %get3A_453 = tpu.vector_load %arg7[%get3A_452] {strides = array<i32>} : memref<4096xi32, #tpu.memory_space<vmem>>, vector<16xi32>,
        %min3A_454 = arith.constant 50047 : i32
        %min3A_455 = vector.broadcast %min3A_454 : i32 to vector<16xi32>
        %min3A_456 = arith.minsi %get3A_453, %min3A_455 : vector<16xi32>
        %gather3A_457 = tpu.vector_load_idx %arg5[%min3A_456] : memref<50048xf32, #tpu.memory_space<vmem>>[vector<16xi32>], vector<16xf32>,
        %swap3A_458 = arith.index_cast %mul3A_451 : i32 to index
        %swap3A_459 = tpu.vector_load %arg8[%swap3A_458] {strides = array<i32>} : memref<4096xf32, #tpu.memory_space<vmem>>, vector<16xf32>,
        tpu.vector_store %arg8[%swap3A_458], %gather3A_457 {strides = array<i32>} : memref<4096xf32, #tpu.memory_space<vmem>>, vector<16xf32>,
        %mul3A_460 = arith.constant 16 : i32
        %mul3A_461 = arith.muli %scan3A_253, %mul3A_460 : i32
        %add3A_462 = arith.constant 15 : i32
        %add3A_463 = arith.addi %mul3A_461, %add3A_462 : i32
        %mul3A_464 = arith.constant 16 : i32
        %mul3A_465 = arith.muli %add3A_463, %mul3A_464 : i32
        %get3A_466 = arith.index_cast %mul3A_465 : i32 to index
        %get3A_467 = tpu.vector_load %arg7[%get3A_466] {strides = array<i32>} : memref<4096xi32, #tpu.memory_space<vmem>>, vector<16xi32>,
        %min3A_468 = arith.constant 50047 : i32
        %min3A_469 = vector.broadcast %min3A_468 : i32 to vector<16xi32>
        %min3A_470 = arith.minsi %get3A_467, %min3A_469 : vector<16xi32>
        %gather3A_471 = tpu.vector_load_idx %arg5[%min3A_470] : memref<50048xf32, #tpu.memory_space<vmem>>[vector<16xi32>], vector<16xf32>,
        %swap3A_472 = arith.index_cast %mul3A_465 : i32 to index
        %swap3A_473 = tpu.vector_load %arg8[%swap3A_472] {strides = array<i32>} : memref<4096xf32, #tpu.memory_space<vmem>>, vector<16xf32>,
        tpu.vector_store %arg8[%swap3A_472], %gather3A_471 {strides = array<i32>} : memref<4096xf32, #tpu.memory_space<vmem>>, vector<16xf32>,
      }
      %scan3A_186 = arith.constant 16 : i32
      %add3A_187 = arith.constant 1 : i32
      %add3A_188 = arith.addi %scan3A_89, %add3A_187 : i32
      %lt3A_189 = arith.constant 52 : i32
      %lt3A_190 = arith.cmpi slt, %add3A_188, %lt3A_189 : i32
      %convert_element_type3A_191 = arith.extui %lt3A_190 : i1 to i32
      %cond3A_192 = arith.constant 0 : i32
      %cond3A_193 = arith.cmpi ne, %convert_element_type3A_191, %cond3A_192 : i32
      scf.if %cond3A_193 {
        %add3A_253 = arith.constant 1 : i32
        %add3A_254 = arith.addi %add3A_90, %add3A_253 : i32
        %jit3A_255 = arith.constant 64 : i32
        %div3A_256 = arith.divsi %add3A_254, %jit3A_255 : i32
        %sign3A_257 = arith.constant 0 : i32
        %sign3A_258 = arith.cmpi sgt, %add3A_254, %sign3A_257 : i32
        %sign3A_259 = arith.extui %sign3A_258 : i1 to i32
        %sign3A_260 = arith.constant 0 : i32
        %sign3A_261 = arith.cmpi slt, %add3A_254, %sign3A_260 : i32
        %sign3A_262 = arith.extui %sign3A_261 : i1 to i32
        %sign3A_263 = arith.subi %sign3A_259, %sign3A_262 : i32
        %sign3A_264 = arith.constant 0 : i32
        %sign3A_265 = arith.cmpi sgt, %jit3A_255, %sign3A_264 : i32
        %sign3A_266 = arith.extui %sign3A_265 : i1 to i32
        %sign3A_267 = arith.constant 0 : i32
        %sign3A_268 = arith.cmpi slt, %jit3A_255, %sign3A_267 : i32
        %sign3A_269 = arith.extui %sign3A_268 : i1 to i32
        %sign3A_270 = arith.subi %sign3A_266, %sign3A_269 : i32
        %ne3A_271 = arith.cmpi ne, %sign3A_263, %sign3A_270 : i32
        %rem3A_272 = arith.remsi %add3A_254, %jit3A_255 : i32
        %ne3A_273 = arith.constant 0 : i32
        %ne3A_274 = arith.cmpi ne, %rem3A_272, %ne3A_273 : i32
        %and3A_275 = arith.andi %ne3A_271, %ne3A_274 : i1
        %sub3A_276 = arith.constant 1 : i32
        %sub3A_277 = arith.subi %div3A_256, %sub3A_276 : i32
        %select_n3A_278 = arith.select %and3A_275, %sub3A_277, %div3A_256 : i32
        %jit3A_279 = arith.constant 64 : i32
        %eq3A_280 = arith.constant 0 : i32
        %eq3A_281 = arith.cmpi eq, %jit3A_279, %eq3A_280 : i32
        %jit3A_282 = arith.constant 1 : i32
        %select_n3A_283 = arith.select %eq3A_281, %jit3A_282, %jit3A_279 : i32
        %rem3A_284 = arith.remsi %add3A_254, %select_n3A_283 : i32
        %ne3A_285 = arith.constant 0 : i32
        %ne3A_286 = arith.cmpi ne, %rem3A_284, %ne3A_285 : i32
        %lt3A_287 = arith.constant 0 : i32
        %lt3A_288 = arith.cmpi slt, %rem3A_284, %lt3A_287 : i32
        %lt3A_289 = arith.constant 0 : i32
        %lt3A_290 = arith.cmpi slt, %select_n3A_283, %lt3A_289 : i32
        %ne3A_291 = arith.xori %lt3A_288, %lt3A_290 : i1
        %and3A_292 = arith.andi %ne3A_291, %ne3A_286 : i1
        %add3A_293 = arith.addi %rem3A_284, %select_n3A_283 : i32
        %select_n3A_294 = arith.select %and3A_292, %add3A_293, %rem3A_284 : i32
        %dma_start3A_295 = arith.constant 0 : i32
        %dma_start3A_296 = tpu.memref_slice %arg2[%select_n3A_278, %select_n3A_294, %dma_start3A_295] : memref<26x64x100000xf32, #tpu.memory_space<hbm>> -> memref<1x1x50048xf32, #tpu.memory_space<hbm>>
        %dma_start3A_297 = tpu.memref_squeeze %dma_start3A_296 : memref<1x1x50048xf32, #tpu.memory_space<hbm>> -> memref<50048xf32, #tpu.memory_space<hbm>>
        %dma_start3A_298 = arith.constant 0 : i32
        %dma_start3A_299 = tpu.memref_slice %arg2[%select_n3A_278, %select_n3A_294, %dma_start3A_298] : memref<26x64x100000xf32, #tpu.memory_space<hbm>> -> memref<1x1x50048xf32, #tpu.memory_space<hbm>>
        %dma_start3A_300 = tpu.memref_squeeze %dma_start3A_299 : memref<1x1x50048xf32, #tpu.memory_space<hbm>> -> memref<50048xf32, #tpu.memory_space<hbm>>
        tpu.enqueue_dma source(%dma_start3A_300 : memref<50048xf32, #tpu.memory_space<hbm>>) target(%arg5 : memref<50048xf32, #tpu.memory_space<vmem>>) target_semaphore(%arg9 : memref<!tpu.dma_semaphore, #tpu.memory_space<semaphore_mem>>)
      } else {
      }
      %jit3A_194 = arith.constant 64 : i32
      %div3A_195 = arith.divsi %add3A_90, %jit3A_194 : i32
      %sign3A_196 = arith.constant 0 : i32
      %sign3A_197 = arith.cmpi sgt, %add3A_90, %sign3A_196 : i32
      %sign3A_198 = arith.extui %sign3A_197 : i1 to i32
      %sign3A_199 = arith.constant 0 : i32
      %sign3A_200 = arith.cmpi slt, %add3A_90, %sign3A_199 : i32
      %sign3A_201 = arith.extui %sign3A_200 : i1 to i32
      %sign3A_202 = arith.subi %sign3A_198, %sign3A_201 : i32
      %sign3A_203 = arith.constant 0 : i32
      %sign3A_204 = arith.cmpi sgt, %jit3A_194, %sign3A_203 : i32
      %sign3A_205 = arith.extui %sign3A_204 : i1 to i32
      %sign3A_206 = arith.constant 0 : i32
      %sign3A_207 = arith.cmpi slt, %jit3A_194, %sign3A_206 : i32
      %sign3A_208 = arith.extui %sign3A_207 : i1 to i32
      %sign3A_209 = arith.subi %sign3A_205, %sign3A_208 : i32
      %ne3A_210 = arith.cmpi ne, %sign3A_202, %sign3A_209 : i32
      %rem3A_211 = arith.remsi %add3A_90, %jit3A_194 : i32
      %ne3A_212 = arith.constant 0 : i32
      %ne3A_213 = arith.cmpi ne, %rem3A_211, %ne3A_212 : i32
      %and3A_214 = arith.andi %ne3A_210, %ne3A_213 : i1
      %sub3A_215 = arith.constant 1 : i32
      %sub3A_216 = arith.subi %div3A_195, %sub3A_215 : i32
      %select_n3A_217 = arith.select %and3A_214, %sub3A_216, %div3A_195 : i32
      %jit3A_218 = arith.constant 64 : i32
      %eq3A_219 = arith.constant 0 : i32
      %eq3A_220 = arith.cmpi eq, %jit3A_218, %eq3A_219 : i32
      %jit3A_221 = arith.constant 1 : i32
      %select_n3A_222 = arith.select %eq3A_220, %jit3A_221, %jit3A_218 : i32
      %rem3A_223 = arith.remsi %add3A_90, %select_n3A_222 : i32
      %ne3A_224 = arith.constant 0 : i32
      %ne3A_225 = arith.cmpi ne, %rem3A_223, %ne3A_224 : i32
      %lt3A_226 = arith.constant 0 : i32
      %lt3A_227 = arith.cmpi slt, %rem3A_223, %lt3A_226 : i32
      %lt3A_228 = arith.constant 0 : i32
      %lt3A_229 = arith.cmpi slt, %select_n3A_222, %lt3A_228 : i32
      %ne3A_230 = arith.xori %lt3A_227, %lt3A_229 : i1
      %and3A_231 = arith.andi %ne3A_230, %ne3A_225 : i1
      %add3A_232 = arith.addi %rem3A_223, %select_n3A_222 : i32
      %select_n3A_233 = arith.select %and3A_231, %add3A_232, %rem3A_223 : i32
      %dma_wait3A_234 = arith.constant 50048 : i32
      %dma_wait3A_235 = tpu.memref_slice %arg2[%select_n3A_217, %select_n3A_233, %dma_wait3A_234] : memref<26x64x100000xf32, #tpu.memory_space<hbm>> -> memref<1x1x49952xf32, #tpu.memory_space<hbm>>
      %dma_wait3A_236 = tpu.memref_squeeze %dma_wait3A_235 : memref<1x1x49952xf32, #tpu.memory_space<hbm>> -> memref<49952xf32, #tpu.memory_space<hbm>>
      %dma_wait3A_237 = arith.constant 50048 : i32
      %dma_wait3A_238 = tpu.memref_slice %arg2[%select_n3A_217, %select_n3A_233, %dma_wait3A_237] : memref<26x64x100000xf32, #tpu.memory_space<hbm>> -> memref<1x1x49952xf32, #tpu.memory_space<hbm>>
      %dma_wait3A_239 = tpu.memref_squeeze %dma_wait3A_238 : memref<1x1x49952xf32, #tpu.memory_space<hbm>> -> memref<49952xf32, #tpu.memory_space<hbm>>
      tpu.wait_dma2 semaphore(%arg10 : memref<!tpu.dma_semaphore, #tpu.memory_space<semaphore_mem>>) src(%dma_wait3A_239 : memref<49952xf32, #tpu.memory_space<hbm>>) dst(%arg6 : memref<49952xf32, #tpu.memory_space<vmem>>)
      %scan3A_240 = arith.constant 0 : i32
      %scan3A_241 = arith.constant 0 : i32
      %scan3A_242 = arith.constant 16 : i32
      %scan3A_243 = arith.addi %scan3A_241, %scan3A_242 : i32
      %scan3A_244 = arith.constant 1 : i32
      scf.for %scan3A_253 = %scan3A_241 to %scan3A_243 step %scan3A_244  : i32 {
        %mul3A_254 = arith.constant 16 : i32
        %mul3A_255 = arith.muli %scan3A_253, %mul3A_254 : i32
        %add3A_256 = arith.constant 0 : i32
        %add3A_257 = arith.addi %mul3A_255, %add3A_256 : i32
        %mul3A_258 = arith.constant 16 : i32
        %mul3A_259 = arith.muli %add3A_257, %mul3A_258 : i32
        %get3A = arith.index_cast %mul3A_259 : i32 to index
        %get3A_260 = tpu.vector_load %arg7[%get3A] {strides = array<i32>} : memref<4096xi32, #tpu.memory_space<vmem>>, vector<16xi32>,
        %sub3A_261 = arith.constant 50048 : i32
        %sub3A_262 = vector.broadcast %sub3A_261 : i32 to vector<16xi32>
        %sub3A_263 = arith.subi %get3A_260, %sub3A_262 : vector<16xi32>
        %jit3A_264 = arith.constant 0 : i32
        %jit3A_265 = arith.constant 49951 : i32
        %max3A = vector.broadcast %jit3A_264 : i32 to vector<16xi32>
        %max3A_266 = arith.maxsi %max3A, %sub3A_263 : vector<16xi32>
        %min3A = vector.broadcast %jit3A_265 : i32 to vector<16xi32>
        %min3A_267 = arith.minsi %min3A, %max3A_266 : vector<16xi32>
        %gather3A = tpu.vector_load_idx %arg6[%min3A_267] : memref<49952xf32, #tpu.memory_space<vmem>>[vector<16xi32>], vector<16xf32>,
        %get3A_268 = arith.index_cast %mul3A_259 : i32 to index
        %get3A_269 = tpu.vector_load %arg8[%get3A_268] {strides = array<i32>} : memref<4096xf32, #tpu.memory_space<vmem>>, vector<16xf32>,
        %ge3A = arith.constant 50048 : i32
        %ge3A_270 = vector.broadcast %ge3A : i32 to vector<16xi32>
        %ge3A_271 = arith.cmpi sge, %get3A_260, %ge3A_270 : vector<16xi32>
        %select_n3A_272 = arith.select %ge3A_271, %gather3A, %get3A_269 : vector<16xi1>, vector<16xf32>
        %swap3A = arith.index_cast %mul3A_259 : i32 to index
        %swap3A_273 = tpu.vector_load %arg8[%swap3A] {strides = array<i32>} : memref<4096xf32, #tpu.memory_space<vmem>>, vector<16xf32>,
        tpu.vector_store %arg8[%swap3A], %select_n3A_272 {strides = array<i32>} : memref<4096xf32, #tpu.memory_space<vmem>>, vector<16xf32>,
        %mul3A_274 = arith.constant 16 : i32
        %mul3A_275 = arith.muli %scan3A_253, %mul3A_274 : i32
        %add3A_276 = arith.constant 1 : i32
        %add3A_277 = arith.addi %mul3A_275, %add3A_276 : i32
        %mul3A_278 = arith.constant 16 : i32
        %mul3A_279 = arith.muli %add3A_277, %mul3A_278 : i32
        %get3A_280 = arith.index_cast %mul3A_279 : i32 to index
        %get3A_281 = tpu.vector_load %arg7[%get3A_280] {strides = array<i32>} : memref<4096xi32, #tpu.memory_space<vmem>>, vector<16xi32>,
        %sub3A_282 = arith.constant 50048 : i32
        %sub3A_283 = vector.broadcast %sub3A_282 : i32 to vector<16xi32>
        %sub3A_284 = arith.subi %get3A_281, %sub3A_283 : vector<16xi32>
        %jit3A_285 = arith.constant 0 : i32
        %jit3A_286 = arith.constant 49951 : i32
        %max3A_287 = vector.broadcast %jit3A_285 : i32 to vector<16xi32>
        %max3A_288 = arith.maxsi %max3A_287, %sub3A_284 : vector<16xi32>
        %min3A_289 = vector.broadcast %jit3A_286 : i32 to vector<16xi32>
        %min3A_290 = arith.minsi %min3A_289, %max3A_288 : vector<16xi32>
        %gather3A_291 = tpu.vector_load_idx %arg6[%min3A_290] : memref<49952xf32, #tpu.memory_space<vmem>>[vector<16xi32>], vector<16xf32>,
        %get3A_292 = arith.index_cast %mul3A_279 : i32 to index
        %get3A_293 = tpu.vector_load %arg8[%get3A_292] {strides = array<i32>} : memref<4096xf32, #tpu.memory_space<vmem>>, vector<16xf32>,
        %ge3A_294 = arith.constant 50048 : i32
        %ge3A_295 = vector.broadcast %ge3A_294 : i32 to vector<16xi32>
        %ge3A_296 = arith.cmpi sge, %get3A_281, %ge3A_295 : vector<16xi32>
        %select_n3A_297 = arith.select %ge3A_296, %gather3A_291, %get3A_293 : vector<16xi1>, vector<16xf32>
        %swap3A_298 = arith.index_cast %mul3A_279 : i32 to index
        %swap3A_299 = tpu.vector_load %arg8[%swap3A_298] {strides = array<i32>} : memref<4096xf32, #tpu.memory_space<vmem>>, vector<16xf32>,
        tpu.vector_store %arg8[%swap3A_298], %select_n3A_297 {strides = array<i32>} : memref<4096xf32, #tpu.memory_space<vmem>>, vector<16xf32>,
        %mul3A_300 = arith.constant 16 : i32
        %mul3A_301 = arith.muli %scan3A_253, %mul3A_300 : i32
        %add3A_302 = arith.constant 2 : i32
        %add3A_303 = arith.addi %mul3A_301, %add3A_302 : i32
        %mul3A_304 = arith.constant 16 : i32
        %mul3A_305 = arith.muli %add3A_303, %mul3A_304 : i32
        %get3A_306 = arith.index_cast %mul3A_305 : i32 to index
        %get3A_307 = tpu.vector_load %arg7[%get3A_306] {strides = array<i32>} : memref<4096xi32, #tpu.memory_space<vmem>>, vector<16xi32>,
        %sub3A_308 = arith.constant 50048 : i32
        %sub3A_309 = vector.broadcast %sub3A_308 : i32 to vector<16xi32>
        %sub3A_310 = arith.subi %get3A_307, %sub3A_309 : vector<16xi32>
        %jit3A_311 = arith.constant 0 : i32
        %jit3A_312 = arith.constant 49951 : i32
        %max3A_313 = vector.broadcast %jit3A_311 : i32 to vector<16xi32>
        %max3A_314 = arith.maxsi %max3A_313, %sub3A_310 : vector<16xi32>
        %min3A_315 = vector.broadcast %jit3A_312 : i32 to vector<16xi32>
        %min3A_316 = arith.minsi %min3A_315, %max3A_314 : vector<16xi32>
        %gather3A_317 = tpu.vector_load_idx %arg6[%min3A_316] : memref<49952xf32, #tpu.memory_space<vmem>>[vector<16xi32>], vector<16xf32>,
        %get3A_318 = arith.index_cast %mul3A_305 : i32 to index
        %get3A_319 = tpu.vector_load %arg8[%get3A_318] {strides = array<i32>} : memref<4096xf32, #tpu.memory_space<vmem>>, vector<16xf32>,
        %ge3A_320 = arith.constant 50048 : i32
        %ge3A_321 = vector.broadcast %ge3A_320 : i32 to vector<16xi32>
        %ge3A_322 = arith.cmpi sge, %get3A_307, %ge3A_321 : vector<16xi32>
        %select_n3A_323 = arith.select %ge3A_322, %gather3A_317, %get3A_319 : vector<16xi1>, vector<16xf32>
        %swap3A_324 = arith.index_cast %mul3A_305 : i32 to index
        %swap3A_325 = tpu.vector_load %arg8[%swap3A_324] {strides = array<i32>} : memref<4096xf32, #tpu.memory_space<vmem>>, vector<16xf32>,
        tpu.vector_store %arg8[%swap3A_324], %select_n3A_323 {strides = array<i32>} : memref<4096xf32, #tpu.memory_space<vmem>>, vector<16xf32>,
        %mul3A_326 = arith.constant 16 : i32
        %mul3A_327 = arith.muli %scan3A_253, %mul3A_326 : i32
        %add3A_328 = arith.constant 3 : i32
        %add3A_329 = arith.addi %mul3A_327, %add3A_328 : i32
        %mul3A_330 = arith.constant 16 : i32
        %mul3A_331 = arith.muli %add3A_329, %mul3A_330 : i32
        %get3A_332 = arith.index_cast %mul3A_331 : i32 to index
        %get3A_333 = tpu.vector_load %arg7[%get3A_332] {strides = array<i32>} : memref<4096xi32, #tpu.memory_space<vmem>>, vector<16xi32>,
        %sub3A_334 = arith.constant 50048 : i32
        %sub3A_335 = vector.broadcast %sub3A_334 : i32 to vector<16xi32>
        %sub3A_336 = arith.subi %get3A_333, %sub3A_335 : vector<16xi32>
        %jit3A_337 = arith.constant 0 : i32
        %jit3A_338 = arith.constant 49951 : i32
        %max3A_339 = vector.broadcast %jit3A_337 : i32 to vector<16xi32>
        %max3A_340 = arith.maxsi %max3A_339, %sub3A_336 : vector<16xi32>
        %min3A_341 = vector.broadcast %jit3A_338 : i32 to vector<16xi32>
        %min3A_342 = arith.minsi %min3A_341, %max3A_340 : vector<16xi32>
        %gather3A_343 = tpu.vector_load_idx %arg6[%min3A_342] : memref<49952xf32, #tpu.memory_space<vmem>>[vector<16xi32>], vector<16xf32>,
        %get3A_344 = arith.index_cast %mul3A_331 : i32 to index
        %get3A_345 = tpu.vector_load %arg8[%get3A_344] {strides = array<i32>} : memref<4096xf32, #tpu.memory_space<vmem>>, vector<16xf32>,
        %ge3A_346 = arith.constant 50048 : i32
        %ge3A_347 = vector.broadcast %ge3A_346 : i32 to vector<16xi32>
        %ge3A_348 = arith.cmpi sge, %get3A_333, %ge3A_347 : vector<16xi32>
        %select_n3A_349 = arith.select %ge3A_348, %gather3A_343, %get3A_345 : vector<16xi1>, vector<16xf32>
        %swap3A_350 = arith.index_cast %mul3A_331 : i32 to index
        %swap3A_351 = tpu.vector_load %arg8[%swap3A_350] {strides = array<i32>} : memref<4096xf32, #tpu.memory_space<vmem>>, vector<16xf32>,
        tpu.vector_store %arg8[%swap3A_350], %select_n3A_349 {strides = array<i32>} : memref<4096xf32, #tpu.memory_space<vmem>>, vector<16xf32>,
        %mul3A_352 = arith.constant 16 : i32
        %mul3A_353 = arith.muli %scan3A_253, %mul3A_352 : i32
        %add3A_354 = arith.constant 4 : i32
        %add3A_355 = arith.addi %mul3A_353, %add3A_354 : i32
        %mul3A_356 = arith.constant 16 : i32
        %mul3A_357 = arith.muli %add3A_355, %mul3A_356 : i32
        %get3A_358 = arith.index_cast %mul3A_357 : i32 to index
        %get3A_359 = tpu.vector_load %arg7[%get3A_358] {strides = array<i32>} : memref<4096xi32, #tpu.memory_space<vmem>>, vector<16xi32>,
        %sub3A_360 = arith.constant 50048 : i32
        %sub3A_361 = vector.broadcast %sub3A_360 : i32 to vector<16xi32>
        %sub3A_362 = arith.subi %get3A_359, %sub3A_361 : vector<16xi32>
        %jit3A_363 = arith.constant 0 : i32
        %jit3A_364 = arith.constant 49951 : i32
        %max3A_365 = vector.broadcast %jit3A_363 : i32 to vector<16xi32>
        %max3A_366 = arith.maxsi %max3A_365, %sub3A_362 : vector<16xi32>
        %min3A_367 = vector.broadcast %jit3A_364 : i32 to vector<16xi32>
        %min3A_368 = arith.minsi %min3A_367, %max3A_366 : vector<16xi32>
        %gather3A_369 = tpu.vector_load_idx %arg6[%min3A_368] : memref<49952xf32, #tpu.memory_space<vmem>>[vector<16xi32>], vector<16xf32>,
        %get3A_370 = arith.index_cast %mul3A_357 : i32 to index
        %get3A_371 = tpu.vector_load %arg8[%get3A_370] {strides = array<i32>} : memref<4096xf32, #tpu.memory_space<vmem>>, vector<16xf32>,
        %ge3A_372 = arith.constant 50048 : i32
        %ge3A_373 = vector.broadcast %ge3A_372 : i32 to vector<16xi32>
        %ge3A_374 = arith.cmpi sge, %get3A_359, %ge3A_373 : vector<16xi32>
        %select_n3A_375 = arith.select %ge3A_374, %gather3A_369, %get3A_371 : vector<16xi1>, vector<16xf32>
        %swap3A_376 = arith.index_cast %mul3A_357 : i32 to index
        %swap3A_377 = tpu.vector_load %arg8[%swap3A_376] {strides = array<i32>} : memref<4096xf32, #tpu.memory_space<vmem>>, vector<16xf32>,
        tpu.vector_store %arg8[%swap3A_376], %select_n3A_375 {strides = array<i32>} : memref<4096xf32, #tpu.memory_space<vmem>>, vector<16xf32>,
        %mul3A_378 = arith.constant 16 : i32
        %mul3A_379 = arith.muli %scan3A_253, %mul3A_378 : i32
        %add3A_380 = arith.constant 5 : i32
        %add3A_381 = arith.addi %mul3A_379, %add3A_380 : i32
        %mul3A_382 = arith.constant 16 : i32
        %mul3A_383 = arith.muli %add3A_381, %mul3A_382 : i32
        %get3A_384 = arith.index_cast %mul3A_383 : i32 to index
        %get3A_385 = tpu.vector_load %arg7[%get3A_384] {strides = array<i32>} : memref<4096xi32, #tpu.memory_space<vmem>>, vector<16xi32>,
        %sub3A_386 = arith.constant 50048 : i32
        %sub3A_387 = vector.broadcast %sub3A_386 : i32 to vector<16xi32>
        %sub3A_388 = arith.subi %get3A_385, %sub3A_387 : vector<16xi32>
        %jit3A_389 = arith.constant 0 : i32
        %jit3A_390 = arith.constant 49951 : i32
        %max3A_391 = vector.broadcast %jit3A_389 : i32 to vector<16xi32>
        %max3A_392 = arith.maxsi %max3A_391, %sub3A_388 : vector<16xi32>
        %min3A_393 = vector.broadcast %jit3A_390 : i32 to vector<16xi32>
        %min3A_394 = arith.minsi %min3A_393, %max3A_392 : vector<16xi32>
        %gather3A_395 = tpu.vector_load_idx %arg6[%min3A_394] : memref<49952xf32, #tpu.memory_space<vmem>>[vector<16xi32>], vector<16xf32>,
        %get3A_396 = arith.index_cast %mul3A_383 : i32 to index
        %get3A_397 = tpu.vector_load %arg8[%get3A_396] {strides = array<i32>} : memref<4096xf32, #tpu.memory_space<vmem>>, vector<16xf32>,
        %ge3A_398 = arith.constant 50048 : i32
        %ge3A_399 = vector.broadcast %ge3A_398 : i32 to vector<16xi32>
        %ge3A_400 = arith.cmpi sge, %get3A_385, %ge3A_399 : vector<16xi32>
        %select_n3A_401 = arith.select %ge3A_400, %gather3A_395, %get3A_397 : vector<16xi1>, vector<16xf32>
        %swap3A_402 = arith.index_cast %mul3A_383 : i32 to index
        %swap3A_403 = tpu.vector_load %arg8[%swap3A_402] {strides = array<i32>} : memref<4096xf32, #tpu.memory_space<vmem>>, vector<16xf32>,
        tpu.vector_store %arg8[%swap3A_402], %select_n3A_401 {strides = array<i32>} : memref<4096xf32, #tpu.memory_space<vmem>>, vector<16xf32>,
        %mul3A_404 = arith.constant 16 : i32
        %mul3A_405 = arith.muli %scan3A_253, %mul3A_404 : i32
        %add3A_406 = arith.constant 6 : i32
        %add3A_407 = arith.addi %mul3A_405, %add3A_406 : i32
        %mul3A_408 = arith.constant 16 : i32
        %mul3A_409 = arith.muli %add3A_407, %mul3A_408 : i32
        %get3A_410 = arith.index_cast %mul3A_409 : i32 to index
        %get3A_411 = tpu.vector_load %arg7[%get3A_410] {strides = array<i32>} : memref<4096xi32, #tpu.memory_space<vmem>>, vector<16xi32>,
        %sub3A_412 = arith.constant 50048 : i32
        %sub3A_413 = vector.broadcast %sub3A_412 : i32 to vector<16xi32>
        %sub3A_414 = arith.subi %get3A_411, %sub3A_413 : vector<16xi32>
        %jit3A_415 = arith.constant 0 : i32
        %jit3A_416 = arith.constant 49951 : i32
        %max3A_417 = vector.broadcast %jit3A_415 : i32 to vector<16xi32>
        %max3A_418 = arith.maxsi %max3A_417, %sub3A_414 : vector<16xi32>
        %min3A_419 = vector.broadcast %jit3A_416 : i32 to vector<16xi32>
        %min3A_420 = arith.minsi %min3A_419, %max3A_418 : vector<16xi32>
        %gather3A_421 = tpu.vector_load_idx %arg6[%min3A_420] : memref<49952xf32, #tpu.memory_space<vmem>>[vector<16xi32>], vector<16xf32>,
        %get3A_422 = arith.index_cast %mul3A_409 : i32 to index
        %get3A_423 = tpu.vector_load %arg8[%get3A_422] {strides = array<i32>} : memref<4096xf32, #tpu.memory_space<vmem>>, vector<16xf32>,
        %ge3A_424 = arith.constant 50048 : i32
        %ge3A_425 = vector.broadcast %ge3A_424 : i32 to vector<16xi32>
        %ge3A_426 = arith.cmpi sge, %get3A_411, %ge3A_425 : vector<16xi32>
        %select_n3A_427 = arith.select %ge3A_426, %gather3A_421, %get3A_423 : vector<16xi1>, vector<16xf32>
        %swap3A_428 = arith.index_cast %mul3A_409 : i32 to index
        %swap3A_429 = tpu.vector_load %arg8[%swap3A_428] {strides = array<i32>} : memref<4096xf32, #tpu.memory_space<vmem>>, vector<16xf32>,
        tpu.vector_store %arg8[%swap3A_428], %select_n3A_427 {strides = array<i32>} : memref<4096xf32, #tpu.memory_space<vmem>>, vector<16xf32>,
        %mul3A_430 = arith.constant 16 : i32
        %mul3A_431 = arith.muli %scan3A_253, %mul3A_430 : i32
        %add3A_432 = arith.constant 7 : i32
        %add3A_433 = arith.addi %mul3A_431, %add3A_432 : i32
        %mul3A_434 = arith.constant 16 : i32
        %mul3A_435 = arith.muli %add3A_433, %mul3A_434 : i32
        %get3A_436 = arith.index_cast %mul3A_435 : i32 to index
        %get3A_437 = tpu.vector_load %arg7[%get3A_436] {strides = array<i32>} : memref<4096xi32, #tpu.memory_space<vmem>>, vector<16xi32>,
        %sub3A_438 = arith.constant 50048 : i32
        %sub3A_439 = vector.broadcast %sub3A_438 : i32 to vector<16xi32>
        %sub3A_440 = arith.subi %get3A_437, %sub3A_439 : vector<16xi32>
        %jit3A_441 = arith.constant 0 : i32
        %jit3A_442 = arith.constant 49951 : i32
        %max3A_443 = vector.broadcast %jit3A_441 : i32 to vector<16xi32>
        %max3A_444 = arith.maxsi %max3A_443, %sub3A_440 : vector<16xi32>
        %min3A_445 = vector.broadcast %jit3A_442 : i32 to vector<16xi32>
        %min3A_446 = arith.minsi %min3A_445, %max3A_444 : vector<16xi32>
        %gather3A_447 = tpu.vector_load_idx %arg6[%min3A_446] : memref<49952xf32, #tpu.memory_space<vmem>>[vector<16xi32>], vector<16xf32>,
        %get3A_448 = arith.index_cast %mul3A_435 : i32 to index
        %get3A_449 = tpu.vector_load %arg8[%get3A_448] {strides = array<i32>} : memref<4096xf32, #tpu.memory_space<vmem>>, vector<16xf32>,
        %ge3A_450 = arith.constant 50048 : i32
        %ge3A_451 = vector.broadcast %ge3A_450 : i32 to vector<16xi32>
        %ge3A_452 = arith.cmpi sge, %get3A_437, %ge3A_451 : vector<16xi32>
        %select_n3A_453 = arith.select %ge3A_452, %gather3A_447, %get3A_449 : vector<16xi1>, vector<16xf32>
        %swap3A_454 = arith.index_cast %mul3A_435 : i32 to index
        %swap3A_455 = tpu.vector_load %arg8[%swap3A_454] {strides = array<i32>} : memref<4096xf32, #tpu.memory_space<vmem>>, vector<16xf32>,
        tpu.vector_store %arg8[%swap3A_454], %select_n3A_453 {strides = array<i32>} : memref<4096xf32, #tpu.memory_space<vmem>>, vector<16xf32>,
        %mul3A_456 = arith.constant 16 : i32
        %mul3A_457 = arith.muli %scan3A_253, %mul3A_456 : i32
        %add3A_458 = arith.constant 8 : i32
        %add3A_459 = arith.addi %mul3A_457, %add3A_458 : i32
        %mul3A_460 = arith.constant 16 : i32
        %mul3A_461 = arith.muli %add3A_459, %mul3A_460 : i32
        %get3A_462 = arith.index_cast %mul3A_461 : i32 to index
        %get3A_463 = tpu.vector_load %arg7[%get3A_462] {strides = array<i32>} : memref<4096xi32, #tpu.memory_space<vmem>>, vector<16xi32>,
        %sub3A_464 = arith.constant 50048 : i32
        %sub3A_465 = vector.broadcast %sub3A_464 : i32 to vector<16xi32>
        %sub3A_466 = arith.subi %get3A_463, %sub3A_465 : vector<16xi32>
        %jit3A_467 = arith.constant 0 : i32
        %jit3A_468 = arith.constant 49951 : i32
        %max3A_469 = vector.broadcast %jit3A_467 : i32 to vector<16xi32>
        %max3A_470 = arith.maxsi %max3A_469, %sub3A_466 : vector<16xi32>
        %min3A_471 = vector.broadcast %jit3A_468 : i32 to vector<16xi32>
        %min3A_472 = arith.minsi %min3A_471, %max3A_470 : vector<16xi32>
        %gather3A_473 = tpu.vector_load_idx %arg6[%min3A_472] : memref<49952xf32, #tpu.memory_space<vmem>>[vector<16xi32>], vector<16xf32>,
        %get3A_474 = arith.index_cast %mul3A_461 : i32 to index
        %get3A_475 = tpu.vector_load %arg8[%get3A_474] {strides = array<i32>} : memref<4096xf32, #tpu.memory_space<vmem>>, vector<16xf32>,
        %ge3A_476 = arith.constant 50048 : i32
        %ge3A_477 = vector.broadcast %ge3A_476 : i32 to vector<16xi32>
        %ge3A_478 = arith.cmpi sge, %get3A_463, %ge3A_477 : vector<16xi32>
        %select_n3A_479 = arith.select %ge3A_478, %gather3A_473, %get3A_475 : vector<16xi1>, vector<16xf32>
        %swap3A_480 = arith.index_cast %mul3A_461 : i32 to index
        %swap3A_481 = tpu.vector_load %arg8[%swap3A_480] {strides = array<i32>} : memref<4096xf32, #tpu.memory_space<vmem>>, vector<16xf32>,
        tpu.vector_store %arg8[%swap3A_480], %select_n3A_479 {strides = array<i32>} : memref<4096xf32, #tpu.memory_space<vmem>>, vector<16xf32>,
        %mul3A_482 = arith.constant 16 : i32
        %mul3A_483 = arith.muli %scan3A_253, %mul3A_482 : i32
        %add3A_484 = arith.constant 9 : i32
        %add3A_485 = arith.addi %mul3A_483, %add3A_484 : i32
        %mul3A_486 = arith.constant 16 : i32
        %mul3A_487 = arith.muli %add3A_485, %mul3A_486 : i32
        %get3A_488 = arith.index_cast %mul3A_487 : i32 to index
        %get3A_489 = tpu.vector_load %arg7[%get3A_488] {strides = array<i32>} : memref<4096xi32, #tpu.memory_space<vmem>>, vector<16xi32>,
        %sub3A_490 = arith.constant 50048 : i32
        %sub3A_491 = vector.broadcast %sub3A_490 : i32 to vector<16xi32>
        %sub3A_492 = arith.subi %get3A_489, %sub3A_491 : vector<16xi32>
        %jit3A_493 = arith.constant 0 : i32
        %jit3A_494 = arith.constant 49951 : i32
        %max3A_495 = vector.broadcast %jit3A_493 : i32 to vector<16xi32>
        %max3A_496 = arith.maxsi %max3A_495, %sub3A_492 : vector<16xi32>
        %min3A_497 = vector.broadcast %jit3A_494 : i32 to vector<16xi32>
        %min3A_498 = arith.minsi %min3A_497, %max3A_496 : vector<16xi32>
        %gather3A_499 = tpu.vector_load_idx %arg6[%min3A_498] : memref<49952xf32, #tpu.memory_space<vmem>>[vector<16xi32>], vector<16xf32>,
        %get3A_500 = arith.index_cast %mul3A_487 : i32 to index
        %get3A_501 = tpu.vector_load %arg8[%get3A_500] {strides = array<i32>} : memref<4096xf32, #tpu.memory_space<vmem>>, vector<16xf32>,
        %ge3A_502 = arith.constant 50048 : i32
        %ge3A_503 = vector.broadcast %ge3A_502 : i32 to vector<16xi32>
        %ge3A_504 = arith.cmpi sge, %get3A_489, %ge3A_503 : vector<16xi32>
        %select_n3A_505 = arith.select %ge3A_504, %gather3A_499, %get3A_501 : vector<16xi1>, vector<16xf32>
        %swap3A_506 = arith.index_cast %mul3A_487 : i32 to index
        %swap3A_507 = tpu.vector_load %arg8[%swap3A_506] {strides = array<i32>} : memref<4096xf32, #tpu.memory_space<vmem>>, vector<16xf32>,
        tpu.vector_store %arg8[%swap3A_506], %select_n3A_505 {strides = array<i32>} : memref<4096xf32, #tpu.memory_space<vmem>>, vector<16xf32>,
        %mul3A_508 = arith.constant 16 : i32
        %mul3A_509 = arith.muli %scan3A_253, %mul3A_508 : i32
        %add3A_510 = arith.constant 10 : i32
        %add3A_511 = arith.addi %mul3A_509, %add3A_510 : i32
        %mul3A_512 = arith.constant 16 : i32
        %mul3A_513 = arith.muli %add3A_511, %mul3A_512 : i32
        %get3A_514 = arith.index_cast %mul3A_513 : i32 to index
        %get3A_515 = tpu.vector_load %arg7[%get3A_514] {strides = array<i32>} : memref<4096xi32, #tpu.memory_space<vmem>>, vector<16xi32>,
        %sub3A_516 = arith.constant 50048 : i32
        %sub3A_517 = vector.broadcast %sub3A_516 : i32 to vector<16xi32>
        %sub3A_518 = arith.subi %get3A_515, %sub3A_517 : vector<16xi32>
        %jit3A_519 = arith.constant 0 : i32
        %jit3A_520 = arith.constant 49951 : i32
        %max3A_521 = vector.broadcast %jit3A_519 : i32 to vector<16xi32>
        %max3A_522 = arith.maxsi %max3A_521, %sub3A_518 : vector<16xi32>
        %min3A_523 = vector.broadcast %jit3A_520 : i32 to vector<16xi32>
        %min3A_524 = arith.minsi %min3A_523, %max3A_522 : vector<16xi32>
        %gather3A_525 = tpu.vector_load_idx %arg6[%min3A_524] : memref<49952xf32, #tpu.memory_space<vmem>>[vector<16xi32>], vector<16xf32>,
        %get3A_526 = arith.index_cast %mul3A_513 : i32 to index
        %get3A_527 = tpu.vector_load %arg8[%get3A_526] {strides = array<i32>} : memref<4096xf32, #tpu.memory_space<vmem>>, vector<16xf32>,
        %ge3A_528 = arith.constant 50048 : i32
        %ge3A_529 = vector.broadcast %ge3A_528 : i32 to vector<16xi32>
        %ge3A_530 = arith.cmpi sge, %get3A_515, %ge3A_529 : vector<16xi32>
        %select_n3A_531 = arith.select %ge3A_530, %gather3A_525, %get3A_527 : vector<16xi1>, vector<16xf32>
        %swap3A_532 = arith.index_cast %mul3A_513 : i32 to index
        %swap3A_533 = tpu.vector_load %arg8[%swap3A_532] {strides = array<i32>} : memref<4096xf32, #tpu.memory_space<vmem>>, vector<16xf32>,
        tpu.vector_store %arg8[%swap3A_532], %select_n3A_531 {strides = array<i32>} : memref<4096xf32, #tpu.memory_space<vmem>>, vector<16xf32>,
        %mul3A_534 = arith.constant 16 : i32
        %mul3A_535 = arith.muli %scan3A_253, %mul3A_534 : i32
        %add3A_536 = arith.constant 11 : i32
        %add3A_537 = arith.addi %mul3A_535, %add3A_536 : i32
        %mul3A_538 = arith.constant 16 : i32
        %mul3A_539 = arith.muli %add3A_537, %mul3A_538 : i32
        %get3A_540 = arith.index_cast %mul3A_539 : i32 to index
        %get3A_541 = tpu.vector_load %arg7[%get3A_540] {strides = array<i32>} : memref<4096xi32, #tpu.memory_space<vmem>>, vector<16xi32>,
        %sub3A_542 = arith.constant 50048 : i32
        %sub3A_543 = vector.broadcast %sub3A_542 : i32 to vector<16xi32>
        %sub3A_544 = arith.subi %get3A_541, %sub3A_543 : vector<16xi32>
        %jit3A_545 = arith.constant 0 : i32
        %jit3A_546 = arith.constant 49951 : i32
        %max3A_547 = vector.broadcast %jit3A_545 : i32 to vector<16xi32>
        %max3A_548 = arith.maxsi %max3A_547, %sub3A_544 : vector<16xi32>
        %min3A_549 = vector.broadcast %jit3A_546 : i32 to vector<16xi32>
        %min3A_550 = arith.minsi %min3A_549, %max3A_548 : vector<16xi32>
        %gather3A_551 = tpu.vector_load_idx %arg6[%min3A_550] : memref<49952xf32, #tpu.memory_space<vmem>>[vector<16xi32>], vector<16xf32>,
        %get3A_552 = arith.index_cast %mul3A_539 : i32 to index
        %get3A_553 = tpu.vector_load %arg8[%get3A_552] {strides = array<i32>} : memref<4096xf32, #tpu.memory_space<vmem>>, vector<16xf32>,
        %ge3A_554 = arith.constant 50048 : i32
        %ge3A_555 = vector.broadcast %ge3A_554 : i32 to vector<16xi32>
        %ge3A_556 = arith.cmpi sge, %get3A_541, %ge3A_555 : vector<16xi32>
        %select_n3A_557 = arith.select %ge3A_556, %gather3A_551, %get3A_553 : vector<16xi1>, vector<16xf32>
        %swap3A_558 = arith.index_cast %mul3A_539 : i32 to index
        %swap3A_559 = tpu.vector_load %arg8[%swap3A_558] {strides = array<i32>} : memref<4096xf32, #tpu.memory_space<vmem>>, vector<16xf32>,
        tpu.vector_store %arg8[%swap3A_558], %select_n3A_557 {strides = array<i32>} : memref<4096xf32, #tpu.memory_space<vmem>>, vector<16xf32>,
        %mul3A_560 = arith.constant 16 : i32
        %mul3A_561 = arith.muli %scan3A_253, %mul3A_560 : i32
        %add3A_562 = arith.constant 12 : i32
        %add3A_563 = arith.addi %mul3A_561, %add3A_562 : i32
        %mul3A_564 = arith.constant 16 : i32
        %mul3A_565 = arith.muli %add3A_563, %mul3A_564 : i32
        %get3A_566 = arith.index_cast %mul3A_565 : i32 to index
        %get3A_567 = tpu.vector_load %arg7[%get3A_566] {strides = array<i32>} : memref<4096xi32, #tpu.memory_space<vmem>>, vector<16xi32>,
        %sub3A_568 = arith.constant 50048 : i32
        %sub3A_569 = vector.broadcast %sub3A_568 : i32 to vector<16xi32>
        %sub3A_570 = arith.subi %get3A_567, %sub3A_569 : vector<16xi32>
        %jit3A_571 = arith.constant 0 : i32
        %jit3A_572 = arith.constant 49951 : i32
        %max3A_573 = vector.broadcast %jit3A_571 : i32 to vector<16xi32>
        %max3A_574 = arith.maxsi %max3A_573, %sub3A_570 : vector<16xi32>
        %min3A_575 = vector.broadcast %jit3A_572 : i32 to vector<16xi32>
        %min3A_576 = arith.minsi %min3A_575, %max3A_574 : vector<16xi32>
        %gather3A_577 = tpu.vector_load_idx %arg6[%min3A_576] : memref<49952xf32, #tpu.memory_space<vmem>>[vector<16xi32>], vector<16xf32>,
        %get3A_578 = arith.index_cast %mul3A_565 : i32 to index
        %get3A_579 = tpu.vector_load %arg8[%get3A_578] {strides = array<i32>} : memref<4096xf32, #tpu.memory_space<vmem>>, vector<16xf32>,
        %ge3A_580 = arith.constant 50048 : i32
        %ge3A_581 = vector.broadcast %ge3A_580 : i32 to vector<16xi32>
        %ge3A_582 = arith.cmpi sge, %get3A_567, %ge3A_581 : vector<16xi32>
        %select_n3A_583 = arith.select %ge3A_582, %gather3A_577, %get3A_579 : vector<16xi1>, vector<16xf32>
        %swap3A_584 = arith.index_cast %mul3A_565 : i32 to index
        %swap3A_585 = tpu.vector_load %arg8[%swap3A_584] {strides = array<i32>} : memref<4096xf32, #tpu.memory_space<vmem>>, vector<16xf32>,
        tpu.vector_store %arg8[%swap3A_584], %select_n3A_583 {strides = array<i32>} : memref<4096xf32, #tpu.memory_space<vmem>>, vector<16xf32>,
        %mul3A_586 = arith.constant 16 : i32
        %mul3A_587 = arith.muli %scan3A_253, %mul3A_586 : i32
        %add3A_588 = arith.constant 13 : i32
        %add3A_589 = arith.addi %mul3A_587, %add3A_588 : i32
        %mul3A_590 = arith.constant 16 : i32
        %mul3A_591 = arith.muli %add3A_589, %mul3A_590 : i32
        %get3A_592 = arith.index_cast %mul3A_591 : i32 to index
        %get3A_593 = tpu.vector_load %arg7[%get3A_592] {strides = array<i32>} : memref<4096xi32, #tpu.memory_space<vmem>>, vector<16xi32>,
        %sub3A_594 = arith.constant 50048 : i32
        %sub3A_595 = vector.broadcast %sub3A_594 : i32 to vector<16xi32>
        %sub3A_596 = arith.subi %get3A_593, %sub3A_595 : vector<16xi32>
        %jit3A_597 = arith.constant 0 : i32
        %jit3A_598 = arith.constant 49951 : i32
        %max3A_599 = vector.broadcast %jit3A_597 : i32 to vector<16xi32>
        %max3A_600 = arith.maxsi %max3A_599, %sub3A_596 : vector<16xi32>
        %min3A_601 = vector.broadcast %jit3A_598 : i32 to vector<16xi32>
        %min3A_602 = arith.minsi %min3A_601, %max3A_600 : vector<16xi32>
        %gather3A_603 = tpu.vector_load_idx %arg6[%min3A_602] : memref<49952xf32, #tpu.memory_space<vmem>>[vector<16xi32>], vector<16xf32>,
        %get3A_604 = arith.index_cast %mul3A_591 : i32 to index
        %get3A_605 = tpu.vector_load %arg8[%get3A_604] {strides = array<i32>} : memref<4096xf32, #tpu.memory_space<vmem>>, vector<16xf32>,
        %ge3A_606 = arith.constant 50048 : i32
        %ge3A_607 = vector.broadcast %ge3A_606 : i32 to vector<16xi32>
        %ge3A_608 = arith.cmpi sge, %get3A_593, %ge3A_607 : vector<16xi32>
        %select_n3A_609 = arith.select %ge3A_608, %gather3A_603, %get3A_605 : vector<16xi1>, vector<16xf32>
        %swap3A_610 = arith.index_cast %mul3A_591 : i32 to index
        %swap3A_611 = tpu.vector_load %arg8[%swap3A_610] {strides = array<i32>} : memref<4096xf32, #tpu.memory_space<vmem>>, vector<16xf32>,
        tpu.vector_store %arg8[%swap3A_610], %select_n3A_609 {strides = array<i32>} : memref<4096xf32, #tpu.memory_space<vmem>>, vector<16xf32>,
        %mul3A_612 = arith.constant 16 : i32
        %mul3A_613 = arith.muli %scan3A_253, %mul3A_612 : i32
        %add3A_614 = arith.constant 14 : i32
        %add3A_615 = arith.addi %mul3A_613, %add3A_614 : i32
        %mul3A_616 = arith.constant 16 : i32
        %mul3A_617 = arith.muli %add3A_615, %mul3A_616 : i32
        %get3A_618 = arith.index_cast %mul3A_617 : i32 to index
        %get3A_619 = tpu.vector_load %arg7[%get3A_618] {strides = array<i32>} : memref<4096xi32, #tpu.memory_space<vmem>>, vector<16xi32>,
        %sub3A_620 = arith.constant 50048 : i32
        %sub3A_621 = vector.broadcast %sub3A_620 : i32 to vector<16xi32>
        %sub3A_622 = arith.subi %get3A_619, %sub3A_621 : vector<16xi32>
        %jit3A_623 = arith.constant 0 : i32
        %jit3A_624 = arith.constant 49951 : i32
        %max3A_625 = vector.broadcast %jit3A_623 : i32 to vector<16xi32>
        %max3A_626 = arith.maxsi %max3A_625, %sub3A_622 : vector<16xi32>
        %min3A_627 = vector.broadcast %jit3A_624 : i32 to vector<16xi32>
        %min3A_628 = arith.minsi %min3A_627, %max3A_626 : vector<16xi32>
        %gather3A_629 = tpu.vector_load_idx %arg6[%min3A_628] : memref<49952xf32, #tpu.memory_space<vmem>>[vector<16xi32>], vector<16xf32>,
        %get3A_630 = arith.index_cast %mul3A_617 : i32 to index
        %get3A_631 = tpu.vector_load %arg8[%get3A_630] {strides = array<i32>} : memref<4096xf32, #tpu.memory_space<vmem>>, vector<16xf32>,
        %ge3A_632 = arith.constant 50048 : i32
        %ge3A_633 = vector.broadcast %ge3A_632 : i32 to vector<16xi32>
        %ge3A_634 = arith.cmpi sge, %get3A_619, %ge3A_633 : vector<16xi32>
        %select_n3A_635 = arith.select %ge3A_634, %gather3A_629, %get3A_631 : vector<16xi1>, vector<16xf32>
        %swap3A_636 = arith.index_cast %mul3A_617 : i32 to index
        %swap3A_637 = tpu.vector_load %arg8[%swap3A_636] {strides = array<i32>} : memref<4096xf32, #tpu.memory_space<vmem>>, vector<16xf32>,
        tpu.vector_store %arg8[%swap3A_636], %select_n3A_635 {strides = array<i32>} : memref<4096xf32, #tpu.memory_space<vmem>>, vector<16xf32>,
        %mul3A_638 = arith.constant 16 : i32
        %mul3A_639 = arith.muli %scan3A_253, %mul3A_638 : i32
        %add3A_640 = arith.constant 15 : i32
        %add3A_641 = arith.addi %mul3A_639, %add3A_640 : i32
        %mul3A_642 = arith.constant 16 : i32
        %mul3A_643 = arith.muli %add3A_641, %mul3A_642 : i32
        %get3A_644 = arith.index_cast %mul3A_643 : i32 to index
        %get3A_645 = tpu.vector_load %arg7[%get3A_644] {strides = array<i32>} : memref<4096xi32, #tpu.memory_space<vmem>>, vector<16xi32>,
        %sub3A_646 = arith.constant 50048 : i32
        %sub3A_647 = vector.broadcast %sub3A_646 : i32 to vector<16xi32>
        %sub3A_648 = arith.subi %get3A_645, %sub3A_647 : vector<16xi32>
        %jit3A_649 = arith.constant 0 : i32
        %jit3A_650 = arith.constant 49951 : i32
        %max3A_651 = vector.broadcast %jit3A_649 : i32 to vector<16xi32>
        %max3A_652 = arith.maxsi %max3A_651, %sub3A_648 : vector<16xi32>
        %min3A_653 = vector.broadcast %jit3A_650 : i32 to vector<16xi32>
        %min3A_654 = arith.minsi %min3A_653, %max3A_652 : vector<16xi32>
        %gather3A_655 = tpu.vector_load_idx %arg6[%min3A_654] : memref<49952xf32, #tpu.memory_space<vmem>>[vector<16xi32>], vector<16xf32>,
        %get3A_656 = arith.index_cast %mul3A_643 : i32 to index
        %get3A_657 = tpu.vector_load %arg8[%get3A_656] {strides = array<i32>} : memref<4096xf32, #tpu.memory_space<vmem>>, vector<16xf32>,
        %ge3A_658 = arith.constant 50048 : i32
        %ge3A_659 = vector.broadcast %ge3A_658 : i32 to vector<16xi32>
        %ge3A_660 = arith.cmpi sge, %get3A_645, %ge3A_659 : vector<16xi32>
        %select_n3A_661 = arith.select %ge3A_660, %gather3A_655, %get3A_657 : vector<16xi1>, vector<16xf32>
        %swap3A_662 = arith.index_cast %mul3A_643 : i32 to index
        %swap3A_663 = tpu.vector_load %arg8[%swap3A_662] {strides = array<i32>} : memref<4096xf32, #tpu.memory_space<vmem>>, vector<16xf32>,
        tpu.vector_store %arg8[%swap3A_662], %select_n3A_661 {strides = array<i32>} : memref<4096xf32, #tpu.memory_space<vmem>>, vector<16xf32>,
      }
      %scan3A_245 = arith.constant 16 : i32
      %add3A_246 = arith.constant 1 : i32
      %add3A_247 = arith.addi %scan3A_89, %add3A_246 : i32
      %lt3A_248 = arith.constant 52 : i32
      %lt3A_249 = arith.cmpi slt, %add3A_247, %lt3A_248 : i32
      %convert_element_type3A_250 = arith.extui %lt3A_249 : i1 to i32
      %cond3A_251 = arith.constant 0 : i32
      %cond3A_252 = arith.cmpi ne, %convert_element_type3A_250, %cond3A_251 : i32
      scf.if %cond3A_252 {
        %add3A_253 = arith.constant 1 : i32
        %add3A_254 = arith.addi %add3A_90, %add3A_253 : i32
        %jit3A_255 = arith.constant 64 : i32
        %div3A_256 = arith.divsi %add3A_254, %jit3A_255 : i32
        %sign3A_257 = arith.constant 0 : i32
        %sign3A_258 = arith.cmpi sgt, %add3A_254, %sign3A_257 : i32
        %sign3A_259 = arith.extui %sign3A_258 : i1 to i32
        %sign3A_260 = arith.constant 0 : i32
        %sign3A_261 = arith.cmpi slt, %add3A_254, %sign3A_260 : i32
        %sign3A_262 = arith.extui %sign3A_261 : i1 to i32
        %sign3A_263 = arith.subi %sign3A_259, %sign3A_262 : i32
        %sign3A_264 = arith.constant 0 : i32
        %sign3A_265 = arith.cmpi sgt, %jit3A_255, %sign3A_264 : i32
        %sign3A_266 = arith.extui %sign3A_265 : i1 to i32
        %sign3A_267 = arith.constant 0 : i32
        %sign3A_268 = arith.cmpi slt, %jit3A_255, %sign3A_267 : i32
        %sign3A_269 = arith.extui %sign3A_268 : i1 to i32
        %sign3A_270 = arith.subi %sign3A_266, %sign3A_269 : i32
        %ne3A_271 = arith.cmpi ne, %sign3A_263, %sign3A_270 : i32
        %rem3A_272 = arith.remsi %add3A_254, %jit3A_255 : i32
        %ne3A_273 = arith.constant 0 : i32
        %ne3A_274 = arith.cmpi ne, %rem3A_272, %ne3A_273 : i32
        %and3A_275 = arith.andi %ne3A_271, %ne3A_274 : i1
        %sub3A_276 = arith.constant 1 : i32
        %sub3A_277 = arith.subi %div3A_256, %sub3A_276 : i32
        %select_n3A_278 = arith.select %and3A_275, %sub3A_277, %div3A_256 : i32
        %jit3A_279 = arith.constant 64 : i32
        %eq3A_280 = arith.constant 0 : i32
        %eq3A_281 = arith.cmpi eq, %jit3A_279, %eq3A_280 : i32
        %jit3A_282 = arith.constant 1 : i32
        %select_n3A_283 = arith.select %eq3A_281, %jit3A_282, %jit3A_279 : i32
        %rem3A_284 = arith.remsi %add3A_254, %select_n3A_283 : i32
        %ne3A_285 = arith.constant 0 : i32
        %ne3A_286 = arith.cmpi ne, %rem3A_284, %ne3A_285 : i32
        %lt3A_287 = arith.constant 0 : i32
        %lt3A_288 = arith.cmpi slt, %rem3A_284, %lt3A_287 : i32
        %lt3A_289 = arith.constant 0 : i32
        %lt3A_290 = arith.cmpi slt, %select_n3A_283, %lt3A_289 : i32
        %ne3A_291 = arith.xori %lt3A_288, %lt3A_290 : i1
        %and3A_292 = arith.andi %ne3A_291, %ne3A_286 : i1
        %add3A_293 = arith.addi %rem3A_284, %select_n3A_283 : i32
        %select_n3A_294 = arith.select %and3A_292, %add3A_293, %rem3A_284 : i32
        %dma_start3A_295 = arith.constant 50048 : i32
        %dma_start3A_296 = tpu.memref_slice %arg2[%select_n3A_278, %select_n3A_294, %dma_start3A_295] : memref<26x64x100000xf32, #tpu.memory_space<hbm>> -> memref<1x1x49952xf32, #tpu.memory_space<hbm>>
        %dma_start3A_297 = tpu.memref_squeeze %dma_start3A_296 : memref<1x1x49952xf32, #tpu.memory_space<hbm>> -> memref<49952xf32, #tpu.memory_space<hbm>>
        %dma_start3A_298 = arith.constant 50048 : i32
        %dma_start3A_299 = tpu.memref_slice %arg2[%select_n3A_278, %select_n3A_294, %dma_start3A_298] : memref<26x64x100000xf32, #tpu.memory_space<hbm>> -> memref<1x1x49952xf32, #tpu.memory_space<hbm>>
        %dma_start3A_300 = tpu.memref_squeeze %dma_start3A_299 : memref<1x1x49952xf32, #tpu.memory_space<hbm>> -> memref<49952xf32, #tpu.memory_space<hbm>>
        tpu.enqueue_dma source(%dma_start3A_300 : memref<49952xf32, #tpu.memory_space<hbm>>) target(%arg6 : memref<49952xf32, #tpu.memory_space<vmem>>) target_semaphore(%arg10 : memref<!tpu.dma_semaphore, #tpu.memory_space<semaphore_mem>>)
      } else {
      }
      "tpu.region"() ({
        %run_scoped3A = tpu.sem_alloc : memref<!tpu.dma_semaphore, #tpu.memory_space<semaphore_mem>>
        %dma_start3A_253 = arith.constant 0 : i32
        %dma_start3A_254 = tpu.memref_slice %arg4[%select_n3A_114, %select_n3A_130, %dma_start3A_253] : memref<26x64x4096xf32, #tpu.memory_space<hbm>> -> memref<1x1x4096xf32, #tpu.memory_space<hbm>>
        %dma_start3A_255 = tpu.memref_squeeze %dma_start3A_254 : memref<1x1x4096xf32, #tpu.memory_space<hbm>> -> memref<4096xf32, #tpu.memory_space<hbm>>
        %dma_start3A_256 = arith.constant 0 : i32
        %dma_start3A_257 = tpu.memref_slice %arg4[%select_n3A_114, %select_n3A_130, %dma_start3A_256] : memref<26x64x4096xf32, #tpu.memory_space<hbm>> -> memref<1x1x4096xf32, #tpu.memory_space<hbm>>
        %dma_start3A_258 = tpu.memref_squeeze %dma_start3A_257 : memref<1x1x4096xf32, #tpu.memory_space<hbm>> -> memref<4096xf32, #tpu.memory_space<hbm>>
        tpu.enqueue_dma source(%arg8 : memref<4096xf32, #tpu.memory_space<vmem>>) target(%dma_start3A_258 : memref<4096xf32, #tpu.memory_space<hbm>>) target_semaphore(%run_scoped3A : memref<!tpu.dma_semaphore, #tpu.memory_space<semaphore_mem>>)
        %dma_wait3A_259 = arith.constant 0 : i32
        %dma_wait3A_260 = tpu.memref_slice %arg4[%select_n3A_114, %select_n3A_130, %dma_wait3A_259] : memref<26x64x4096xf32, #tpu.memory_space<hbm>> -> memref<1x1x4096xf32, #tpu.memory_space<hbm>>
        %dma_wait3A_261 = tpu.memref_squeeze %dma_wait3A_260 : memref<1x1x4096xf32, #tpu.memory_space<hbm>> -> memref<4096xf32, #tpu.memory_space<hbm>>
        %dma_wait3A_262 = arith.constant 0 : i32
        %dma_wait3A_263 = tpu.memref_slice %arg4[%select_n3A_114, %select_n3A_130, %dma_wait3A_262] : memref<26x64x4096xf32, #tpu.memory_space<hbm>> -> memref<1x1x4096xf32, #tpu.memory_space<hbm>>
        %dma_wait3A_264 = tpu.memref_squeeze %dma_wait3A_263 : memref<1x1x4096xf32, #tpu.memory_space<hbm>> -> memref<4096xf32, #tpu.memory_space<hbm>>
        tpu.wait_dma2 semaphore(%run_scoped3A : memref<!tpu.dma_semaphore, #tpu.memory_space<semaphore_mem>>) src(%arg8 : memref<4096xf32, #tpu.memory_space<vmem>>) dst(%dma_wait3A_264 : memref<4096xf32, #tpu.memory_space<hbm>>)
        tpu.yield
      }) : () -> ()
    }
    %scan3A_88 = arith.constant 52 : i32
    return
  }
}

</mosaic_0001>

<sc_bundles>
// kernel: kernel.3.cloned.1.call-start
scs
__scs_entry_jumppad:
0x0: {  	(pc) =	sbr.rel $0x88, $3  }
0x1: {  	(tag) =	ssettag $0x0;
	lr =	simm.s32 $0x1  }
0x2: {  	[smem:$0x3F9F] =	sst lr;
	_ =	strace $0xD0000000  }
0x3: {  	_ = 	snop  }
0x4: {  	_ = 	snop  }
0x5: {  	_ = 	snop  }
0x6: {  	_ = 	snop  }
0x7: {  	_ = 	snop  }
__scs_overlays_trampoline_lowered:
0x8: {  	[smem:$0x3FAE] =	sst s0  }
0x9: {  	[smem:$0x3FAF] =	sst s1  }
0xa: {  	[smem:$0x3FB0] =	sst s2  }
0xb: {  	[smem:$0x3FB1] =	sst s3  }
0xc: {  	[smem:$0x3FB2] =	sst s4  }
0xd: {  	[smem:$0x3FB3] =	sst s5  }
0xe: {  	[smem:$0x3FB4] =	sst s6  }
0xf: {  	[smem:$0x3FB5] =	sst s7  }
0x10: {  	[smem:$0x3FB6] =	sst s8  }
0x11: {  	[smem:$0x3FB7] =	sst s9;
	s0 =	simm.s32 @!p0 $0x0  }
0x12: {  	s1 =	sld [smem:$0x3F9D];
	s0 =	simm.s32 @p0 $0x1  }
0x13: {  	[smem:$0x3FB8] =	sst s0;
	s0 =	simm.s32 @!p1 $0x0  }
0x14: {  	s2 =	sld [smem:$0x3F9C];
	s0 =	simm.s32 @p1 $0x1  }
0x15: {  	[smem:$0x3FB9] =	sst s0;
	s0 =	simm.s32 @!p2 $0x0  }
0x16: {  	s3 =	sld [smem:$0x3FDB];
	s0 =	simm.s32 @p2 $0x1  }
0x17: {  	s4 =	simm.s32 $0x1BF5;
	[smem:$0x3FBB] =	sst s0  }
0x18: {  	s0 =	sld [smem:$0x3F9E];
	_ =	swait.ge [sflag:s4], $0x0  }
0x19: {  	s7 =	sld [smem:$0x3F9F]  }
0x1a: {  	s8 =	sadd.s32 $0xFFFFE003, lr  }
0x1b: {  	s9 =	sadd.s32 $0xFFFFFEF7, lr;
	s5 =	simm.s32 $0xFFFFFFFF;
	p2 =	slt.u32 s8, $0xFFFFF086  }
0x1c: {  	p1 =	slt.u32 s9, $0xF7A;
	s5 =	simm.s32 @!p2 $0x0  }
0x1d: {  	s5 =	simm.s32 @p1 $0x1;
	p0 =	seq.s32 s7, s2  }
0x1e: {  	s7 =	smul.u32 @!p0 $0xF7A, s2;
	p2 =	seq.s32 @!p0 s5, $0x0  }
0x1f: {  	s9 =	smul.u32 $0xF7A, s1;
	s8 =	simm.s32 @!p0 $0x1BF5;
	p2 =	por !p2, p0  }
0x20: {  	[sflag:s8] =	ssyncset.s32 @!p0 $0xFFFFF086;
	s6 =	sadd.s32 @!p0 s3, s7;
	s7 =	simm.s32 @!p0 $0x108  }
0x21: {  	s3 =	sadd.s32 s3, s9;
	s6 =	sadd.s32 @!p0 $0x88, s6;
	s7 =	simm.s32 @p2 $0x1082  }
0x22: {  	[simem:s7], [sflag:s8] =	dma.local @!p0 [hbm:s6], $0xF7A  }
0x23: {  	s9 =	sor.u32 $0xD0000000, s2;
	s6 =	simm.s32 $0x108;
	_ =	swait.ge @!p0 [sflag:s8], $0x0  }
0x24: {  	s3 =	sadd.s32 $0x88, s3;
	s6 =	simm.s32 @!p1 $0x1082;
	[sflag:s4] =	ssyncset.s32 $0xFFFFF086  }
0x25: {  	[simem:s6], [sflag:s4] =	dma.local [hbm:s3], $0xF7A  }
0x26: {  	[smem:$0x3F9F] =	sst s1;
	(tag) =	ssettag s2;
	_ =	strace s9  }
0x27: {  	s1 =	sld [smem:$0x3FAF]  }
0x28: {  	s2 =	sld [smem:$0x3FB0]  }
0x29: {  	s4 =	sld [smem:$0x3FB2]  }
0x2a: {  	p0 =	seq.s32 s5, $0x0;
	s5 =	sld [smem:$0x3FB3]  }
0x2b: {  	s6 =	sld [smem:$0x3FB4]  }
0x2c: {  	s7 =	sld [smem:$0x3FB5]  }
0x2d: {  	s3 =	simm.s32 $0x108;
	s8 =	sld [smem:$0x3FB6]  }
0x2e: {  	s3 =	simm.s32 @!p0 $0x1082;
	s9 =	sld [smem:$0x3FB7]  }
0x2f: {  	lr =	sadd.s32 s0, s3;
	s0 =	sld [smem:$0x3FAE]  }
0x30: {  	s3 =	sld [smem:$0x3FB1]  }
0x31: {  	[smem:$0x3FBA] =	sst s10  }
0x32: {  	s10 =	sld [smem:$0x3FB8];
	_ =	sdelay $0x3  }
0x33: {  	p0 =	seq.s32 s10, $0x1;
	s10 =	sld [smem:$0x3FBA];
	_ =	sdelay $0x3  }
0x34: {  	[smem:$0x3FBA] =	sst s10  }
0x35: {  	s10 =	sld [smem:$0x3FB9];
	_ =	sdelay $0x3  }
0x36: {  	p1 =	seq.s32 s10, $0x1;
	s10 =	sld [smem:$0x3FBA];
	_ =	sdelay $0x3  }
0x37: {  	[smem:$0x3FBA] =	sst s10  }
0x38: {  	s10 =	sld [smem:$0x3FBB]  }
0x39: {  	_ = 	snop;
	(pc) =	sbr.ind lr, $3  }
0x3a: {  	_ = 	snop  }
0x3b: {  	_ = 	snop  }
0x3c: {  	p2 =	seq.s32 s10, $0x1;
	s10 =	sld [smem:$0x3FBA]  }
0x3d: {  	_ =	shalt  }
0x3e: {  	_ =	shalt  }
0x3f: {  	_ =	shalt  }
0x40: {  	_ =	shalt  }
0x41: {  	_ =	shalt  }
0x42: {  	_ =	shalt  }
0x43: {  	_ =	shalt  }
0x44: {  	_ =	shalt  }
0x45: {  	_ =	shalt  }
0x46: {  	_ =	shalt  }
0x47: {  	_ =	shalt  }
0x48: {  	_ =	shalt  }
0x49: {  	_ =	shalt  }
0x4a: {  	_ =	shalt  }
0x4b: {  	_ =	shalt  }
0x4c: {  	_ =	shalt  }
0x4d: {  	_ =	shalt  }
0x4e: {  	_ =	shalt  }
0x4f: {  	_ =	shalt  }
0x50: {  	_ =	shalt  }
0x51: {  	_ =	shalt  }
0x52: {  	_ =	shalt  }
0x53: {  	_ =	shalt  }
0x54: {  	_ =	shalt  }
0x55: {  	_ =	shalt  }
0x56: {  	_ =	shalt  }
0x57: {  	_ =	shalt  }
0x58: {  	_ =	shalt  }
0x59: {  	_ =	shalt  }
0x5a: {  	_ =	shalt  }
0x5b: {  	_ =	shalt  }
0x5c: {  	_ =	shalt  }
0x5d: {  	_ =	shalt  }
0x5e: {  	_ =	shalt  }
0x5f: {  	_ =	shalt  }
0x60: {  	_ =	shalt  }
0x61: {  	_ =	shalt  }
0x62: {  	_ =	shalt  }
0x63: {  	_ =	shalt  }
0x64: {  	_ =	shalt  }
0x65: {  	_ =	shalt  }
0x66: {  	_ =	shalt  }
0x67: {  	_ =	shalt  }
0x68: {  	_ =	shalt  }
0x69: {  	_ =	shalt  }
0x6a: {  	_ =	shalt  }
0x6b: {  	_ =	shalt  }
0x6c: {  	_ =	shalt  }
0x6d: {  	_ =	shalt  }
0x6e: {  	_ =	shalt  }
0x6f: {  	_ =	shalt  }
0x70: {  	_ =	shalt  }
0x71: {  	_ =	shalt  }
0x72: {  	_ =	shalt  }
0x73: {  	_ =	shalt  }
0x74: {  	_ =	shalt  }
0x75: {  	_ =	shalt  }
0x76: {  	_ =	shalt  }
0x77: {  	_ =	shalt  }
0x78: {  	_ =	shalt  }
0x79: {  	_ =	shalt  }
0x7a: {  	_ =	shalt  }
0x7b: {  	_ =	shalt  }
0x7c: {  	_ =	shalt  }
0x7d: {  	_ =	shalt  }
0x7e: {  	_ =	shalt  }
0x7f: {  	_ =	shalt  }
0x80: {  	_ =	shalt  }
0x81: {  	_ =	shalt  }
0x82: {  	_ =	shalt  }
0x83: {  	_ =	shalt  }
0x84: {  	_ =	shalt  }
0x85: {  	_ =	shalt  }
0x86: {  	_ =	shalt  }
0x87: {  	_ =	shalt  }
.Lfunc_end0:
.L_simem_size_0:
called_computation_lowered:
.L_overlay_start_0:
0x88: {  	s2 =	sld [smem:$0x3FD9]  }
0x89: {  	s3 =	sld [smem:$0x3FFE];
	_ =	sdelay $0x1  }
0x8a: {  	s1 =	srdreg.scid  }
0x8b: {  	s0 =	sand.u32 $0x1, s1  }
0x8c: {  	s18 =	sshll.u32 s0, $0xA;
	s2 =	sadd.s32 s3, s2  }
0x8d: {  	s2 =	sadd.s32 s2, s18  }
0x8e: {  	[smem:$0x3FC6] =	sst s2  }
0x8f: {  	_ = 	snop  }
0x90: {  	s2 =	sld [smem:$0x3FC9]  }
0x91: {  	s19 =	sld [smem:$0x3FC8]  }
0x92: {  	s4 =	sld [smem:$0x3FD0];
	(tm) =	ssettm $0x1  }
0x93: {  	s5 =	sld [smem:$0x3FFB];
	_ =	sdelay $0x3  }
0x94: {  	_ =	strace s5  }
0x95: {  	s5 =	sld [smem:$0x3FFC];
	_ =	sdelay $0x3  }
0x96: {  	_ =	strace s5  }
0x97: {  	s5 =	sld [smem:$0x3FFD];
	_ =	sdelay $0x3  }
0x98: {  	_ =	strace s5  }
0x99: {  	_ =	strace $0x8FFFFFFF  }
0x9a: {  	s20 =	sld [smem:$0x3FDB];
	_ =	sdelay $0x1  }
0x9b: {  	s6 =	simm.s32 $_scs_section_size  }
0x9c: {  	s7 =	simm.s32 $_size__tile_overlayer_lowered;
	s8 =	simm.s32 $_tile_overlayer_lowered  }
0x9d: {  	s23 =	simm.s32 $0x1BFF;
	s22 =	sshll.u32 s8, $0x1;
	s5 =	sadd.s32 s6, s20  }
0x9e: {  	s9 =	simm.s32 $0x0;
	s21 =	sshll.u32 s7, $0x1;
	s7 =	sadd.s32 s22, s5  }
0x9f: {  	[timem:s9], [sflag:s23] =	dma.local [hbm:s7], s21  }
0xa0: {  	_ =	swait.ge [sflag:s23], s21  }
0xa1: {  	s6 =	ssub.s32 $0x0, s21;
	[sflag:s23] =	ssyncset.done $0x0  }
0xa2: {  	[sflag:s23] =	ssyncadd.s32 s6;
	_ =	sdelay $0x1  }
0xa3: {  	s24 =	simm.s32 $0x1B8B  }
0xa4: {  	_ =	swait.ge [sflag:s24], $0x1  }
0xa5: {  	[sflag:s24] =	ssyncset.done $0x0  }
0xa6: {  	s25 =	simm.s32 $0x1B8E;
	[sflag:s24] =	ssyncadd.s32 $0xFFFFFFFF  }
0xa7: {  	s26 =	simm.s32 $execute0_lowered;
	[smem:$0x3FD2] =	sst s25  }
0xa8: {  	s6 =	sshll.u32 s26, $0x1;
	_ =	strace $0x80000046;
	[dreg:$0x1] =	wrdreg $0xFFFFFFFF  }
0xa9: {  	s28 =	simm.s32 $_size_execute0_lowered;
	s5 =	sadd.s32 s5, s6;
	[dreg:$0x0] =	wrdreg $0x0  }
0xaa: {  	s6 =	sshll.u32 s28, $0x1;
	[dreg:$0x2] =	wrdreg s5  }
0xab: {  	[dreg:$0x3] =	wrdreg s6  }
0xac: {  	[dreg:$0x4] =	wrdreg $0xC0  }
0xad: {  	_ =	task [dreg:s9], $0x5FFFF  }
0xae: {  	[dreg:$0x1] =	wrdreg $0xFFFFFFFF  }
0xaf: {  	[dreg:$0x0] =	wrdreg $0x60  }
0xb0: {  	[dreg:$0x2] =	wrdreg s19  }
0xb1: {  	[dreg:$0x3] =	wrdreg s2  }
0xb2: {  	[dreg:$0x4] =	wrdreg s4  }
0xb3: {  	[dreg:$0x5] =	wrdreg $0x9  }
0xb4: {  	_ =	task.clear_ibuf [dreg:s9], $0x6FFFF;
	_ =	strace $0x90000046  }
0xb5: {  	s29 =	simm.s32 $0x9;
	_ =	strace $0x80000048  }
0xb6: {  	_ =	swait.ge [sflag:s29], $0x1  }
0xb7: {  	[sflag:s29] =	ssyncadd.s32 $0xFFFFFFFF  }
0xb8: {  	_ =	strace $0x90000048  }
0xb9: {  	_ =	sfence  }
0xba: {  	s30 =	sld [smem:$0x0];
	_ =	sdelay $0x2  }
0xbb: {  	s31 =	sshll.u32 s1, $0xD;
	s1 =	sshrl.u32 s1, $0x2  }
0xbc: {  	s3 =	sand.u32 $0x4000, s31;
	s1 =	sadd.s32 s1, s30  }
0xbd: {  	s0 =	sor.u32 s3, s0;
	s1 =	sshll.u32 s1, $0x11  }
0xbe: {  	s0 =	sor.u32 s1, s0  }
0xbf: {  	s0 =	sadd.s32 $0x8F2B, s0  }
0xc0: {  	[sflag:s0] =	ssyncadd.remote.s32 $0x1  }
0xc1: {  	_ =	sfence.sel $0xFFFF  }
0xc2: {  	[dreg:$0x0] =	wrdreg $0xFFFFFFFF;
	(pc) =	sbr.abs _section_cstart, $3  }
0xc3: {  	[dreg:$0x1] =	wrdreg $0xFFFFFFFF  }
0xc4: {  	_ =	task.clear_ibuf [dreg:s9], $0x2FFFF;
	_ =	strace $0x9FFFFFFF  }
0xc5: {  	(tm) =	ssettm $0x7FFFFFFF  }
tec
execute0_lowered:
.L_overlay_start_1:
0x0: {  	(tag) =	ssettag $0x1  }
0x1: {  	s1 =	srdreg.scid;
	s0 =	stileid.u32  }
0x2: {  	s2 =	rddreg [dreg:$0x0];
	s7 =	sand.u32 $0x1, s1;
	s24 =	sshll.u32 s0, $0x1  }
0x3: {  	s4 =	rddreg [dreg:$0x1];
	s1 =	sor.u32 s7, s24  }
0x4: {  	s6 =	simm.s32 $0x0;
	s11 =	simm.s32 $0x400;
	s1 =	smul.u32 $0x34, s1  }
0x5: {  	s12 =	simm.s32 $0xC380;
	s13 =	simm.s32 $0x18700;
	s14 =	simm.s32 $0x3  }
0x6: {  	s15 =	simm.s32 $0x1;
	s3 =	sshrl.u32 s1, $0x6;
	s5 =	sand.u32 $0x38, s1  }
0x7: {  	s16 =	simm.s32 $0x2;
	s8 =	smul.u32 $0x61C000, s3;
	s25 =	sshrl.u32 s5, $0x3  }
0x8: {  	s17 =	simm.s32 $0x19700;
	s18 =	simm.s32 $0x0;
	s9 =	smul.u32 $0xC3800, s25  }
0x9: {  	[smem:$0x7FF] =	sst s6;
	s7 =	ssub.s32 $0x2, s7;
	s10 =	sshll.u32 s1, $0x7  }
0xa: {  	s5 =	rddreg [dreg:$0x2];
	s26 =	sand.u32 $0x200, s10;
	s8 =	sadd.s32 s8, s9  }
0xb: {  	s28 =	sshrl.u32 s7, $0x1;
	s3 =	rddreg [dreg:$0x3];
	s8 =	sor.u32 s26, s8  }
0xc: {  	_ =	strace $0x80000047;
	s10 =	simm.s32 $0x80;
	s29 =	sadd.s32 $0x61C00, s8  }
0xd: {  	s9 =	ssub.s32 s7, s28;
	s30 =	sshrl.u32 s8, $0x3;
	s31 =	sshrl.u32 s29, $0x3  }
0xe: {  	s9 =	smax.u32 s9, $0x1;
	s7 =	sadd.s32 s2, s30;
	s8 =	sadd.s32 s2, s31  }
.LBB2_1:
0xf: {  	[tilespmem:s6], [sflag:$0x1] =	stream.strided.gather [hbm4b:s7+s10], $0xC380, s11, s10, $0x38;
	[tilespmem:$0x1A700] =	vst v63  }
0x10: {  	s24 =	simm.s32 $0x0  }
0x11: {  	[tilespmem:s12], [sflag:$0x2] =	stream.strided.gather [hbm4b:s8+s10], $0xC380, s11, s10, $0x38;
	[tilespmem:$0x1A700] =	vst v63  }
.LBB2_2:
0x12: {  	s21 =	sadd.s32 s1, s24  }
0x13: {  	p0 =	seq.s32 s24, $0x0;
	s19 =	sand.u32 $0x3F, s21  }
0x14: {  	p1 =	sne.s32 @!p0 s19, $0x0  }
0x15: {  	s20 =	sshrl.u32 s21, $0x6;
	p0 =	por p0, !p1  }
0x16: {  	s22 =	sshll.u32 @p0 s20, $0x4  }
0x17: {  	s23 =	sshll.u32 @p0 s20, $0x9;
	s22 =	sand.u32 @p0 $0x70, s22  }
0x18: {  	s23 =	sand.u32 @p0 $0xFFFF000, s23;
	s22 =	sadd.s32 @p0 s4, s22  }
0x19: {  	s22 =	sadd.s32 @p0 s23, s22  }
0x1a: {  	[tilespmem:s13], [sflag:$0x3] =	stream.strided.gather @p0 [hbm4b:s22+s10], $0x1000, s11, s10, $0x38;
	[tilespmem:$0x1A700] =	vst v63  }
0x1b: {  	_ =	swait.ge @p0 [sflag:s14], $0x1000  }
0x1c: {  	[sflag:s14] =	ssyncset.done @p0 $0x0  }
0x1d: {  	[sflag:s14] =	ssyncadd.s32 @p0 $0xFFFFF000  }
0x1e: {  	_ =	swait.ge [sflag:s15], $0xC380  }
0x1f: {  	[sflag:s15] =	ssyncset.done $0x0  }
0x20: {  	s22 =	simm.s32 $0x0;
	[sflag:s15] =	ssyncadd.s32 $0xFFFF3C80  }
0x21: {  	v0 =	vld [tilespmem:s22+$0x18700];
	_ =	sdelay $0x4  }
0x22: {  	vm0 =	vlt.s32 v0, $0xC37F  }
0x23: {  	v1 =	vld [tilespmem:s22+$0x18710];
	v0 =	vnsel vm0, $0xC37F, v0;
	_ =	sdelay $0x4  }
0x24: {  	vm13 =	vlt.s32 v1, $0xC37F;
	v0 =	vld.idx.msk [tilespmem:v0+s6+$0x0], $0xffff  }
0x25: {  	v2 =	vld [tilespmem:s22+$0x18720];
	v1 =	vnsel vm13, $0xC37F, v1;
	_ =	sdelay $0x3  }
0x26: {  	[tilespmem:s22+$0x19700] =	vst v0  }
0x27: {  	vm14 =	vlt.s32 v2, $0xC37F;
	v0 =	vld.idx.msk [tilespmem:v1+s6+$0x0], $0xffff  }
0x28: {  	v1 =	vnsel vm14, $0xC37F, v2;
	v2 =	vld [tilespmem:s22+$0x18730];
	_ =	sdelay $0x3  }
0x29: {  	[tilespmem:s22+$0x19710] =	vst v0  }
0x2a: {  	vm15 =	vlt.s32 v2, $0xC37F;
	v0 =	vld.idx.msk [tilespmem:v1+s6+$0x0], $0xffff  }
0x2b: {  	v1 =	vnsel vm15, $0xC37F, v2;
	v2 =	vld [tilespmem:s22+$0x18740];
	_ =	sdelay $0x3  }
0x2c: {  	[tilespmem:s22+$0x19720] =	vst v0  }
0x2d: {  	vm4 =	vlt.s32 v2, $0xC37F;
	v0 =	vld.idx.msk [tilespmem:v1+s6+$0x0], $0xffff  }
0x2e: {  	v1 =	vnsel vm4, $0xC37F, v2;
	v2 =	vld [tilespmem:s22+$0x18750];
	_ =	sdelay $0x3  }
0x2f: {  	[tilespmem:s22+$0x19730] =	vst v0  }
0x30: {  	vm5 =	vlt.s32 v2, $0xC37F;
	v0 =	vld.idx.msk [tilespmem:v1+s6+$0x0], $0xffff  }
0x31: {  	v1 =	vnsel vm5, $0xC37F, v2;
	v2 =	vld [tilespmem:s22+$0x18760];
	_ =	sdelay $0x3  }
0x32: {  	[tilespmem:s22+$0x19740] =	vst v0  }
0x33: {  	vm6 =	vlt.s32 v2, $0xC37F;
	v0 =	vld.idx.msk [tilespmem:v1+s6+$0x0], $0xffff  }
0x34: {  	v1 =	vnsel vm6, $0xC37F, v2;
	v2 =	vld [tilespmem:s22+$0x18770];
	_ =	sdelay $0x3  }
0x35: {  	[tilespmem:s22+$0x19750] =	vst v0  }
0x36: {  	vm7 =	vlt.s32 v2, $0xC37F;
	v0 =	vld.idx.msk [tilespmem:v1+s6+$0x0], $0xffff  }
0x37: {  	v1 =	vnsel vm7, $0xC37F, v2;
	v2 =	vld [tilespmem:s22+$0x18780];
	_ =	sdelay $0x3  }
0x38: {  	[tilespmem:s22+$0x19760] =	vst v0  }
0x39: {  	vm8 =	vlt.s32 v2, $0xC37F;
	v0 =	vld.idx.msk [tilespmem:v1+s6+$0x0], $0xffff  }
0x3a: {  	v1 =	vnsel vm8, $0xC37F, v2;
	v2 =	vld [tilespmem:s22+$0x18790];
	_ =	sdelay $0x3  }
0x3b: {  	[tilespmem:s22+$0x19770] =	vst v0  }
0x3c: {  	vm9 =	vlt.s32 v2, $0xC37F;
	v0 =	vld.idx.msk [tilespmem:v1+s6+$0x0], $0xffff  }
0x3d: {  	v1 =	vnsel vm9, $0xC37F, v2;
	v2 =	vld [tilespmem:s22+$0x187A0];
	_ =	sdelay $0x3  }
0x3e: {  	[tilespmem:s22+$0x19780] =	vst v0  }
0x3f: {  	vm10 =	vlt.s32 v2, $0xC37F;
	v0 =	vld.idx.msk [tilespmem:v1+s6+$0x0], $0xffff  }
0x40: {  	v1 =	vnsel vm10, $0xC37F, v2;
	v2 =	vld [tilespmem:s22+$0x187B0];
	_ =	sdelay $0x3  }
0x41: {  	[tilespmem:s22+$0x19790] =	vst v0  }
0x42: {  	vm11 =	vlt.s32 v2, $0xC37F;
	v0 =	vld.idx.msk [tilespmem:v1+s6+$0x0], $0xffff  }
0x43: {  	v1 =	vnsel vm11, $0xC37F, v2;
	v2 =	vld [tilespmem:s22+$0x187C0];
	_ =	sdelay $0x3  }
0x44: {  	[tilespmem:s22+$0x197A0] =	vst v0  }
0x45: {  	vm12 =	vlt.s32 v2, $0xC37F;
	v0 =	vld.idx.msk [tilespmem:v1+s6+$0x0], $0xffff  }
0x46: {  	v1 =	vnsel vm12, $0xC37F, v2;
	v2 =	vld [tilespmem:s22+$0x187D0];
	_ =	sdelay $0x3  }
0x47: {  	[tilespmem:s22+$0x197B0] =	vst v0  }
0x48: {  	vm13 =	vlt.s32 v2, $0xC37F;
	v0 =	vld.idx.msk [tilespmem:v1+s6+$0x0], $0xffff  }
0x49: {  	v1 =	vnsel vm13, $0xC37F, v2;
	v2 =	vld [tilespmem:s22+$0x187E0];
	_ =	sdelay $0x3  }
0x4a: {  	[tilespmem:s22+$0x197C0] =	vst v0  }
0x4b: {  	vm14 =	vlt.s32 v2, $0xC37F;
	v0 =	vld.idx.msk [tilespmem:v1+s6+$0x0], $0xffff  }
0x4c: {  	v1 =	vld [tilespmem:s22+$0x187F0];
	v2 =	vnsel vm14, $0xC37F, v2;
	_ =	sdelay $0x3  }
0x4d: {  	[tilespmem:s22+$0x197D0] =	vst v0  }
0x4e: {  	vm15 =	vlt.s32 v1, $0xC37F;
	v0 =	vld.idx.msk [tilespmem:v2+s6+$0x0], $0xffff  }
0x4f: {  	s25 =	simm.s32 $0x100;
	s23 =	simm.s32 $0x800;
	v1 =	vnsel vm15, $0xC37F, v1  }
.LBB2_3:
0x50: {  	p0 =	sne.s32 s23, $0x3C00;
	v2 =	vld [tilespmem:s25+$0x18700];
	_ =	sdelay $0x2  }
0x51: {  	[tilespmem:s22+$0x197E0] =	vst v0  }
0x52: {  	v0 =	vld.idx.msk [tilespmem:v1+s6+$0x0], $0xffff  }
0x53: {  	vm0 =	vlt.s32 v2, $0xC37F  }
0x54: {  	v1 =	vnsel vm0, $0xC37F, v2  }
0x55: {  	v2 =	vld [tilespmem:s25+$0x18710];
	_ =	sdelay $0x2  }
0x56: {  	[tilespmem:s22+$0x197F0] =	vst v0;
	s22 =	smov.u32 s25  }
0x57: {  	v0 =	vld.idx.msk [tilespmem:v1+s6+$0x0], $0xffff  }
0x58: {  	vm0 =	vlt.s32 v2, $0xC37F  }
0x59: {  	v1 =	vnsel vm0, $0xC37F, v2  }
0x5a: {  	v2 =	vld [tilespmem:s22+$0x18720];
	_ =	sdelay $0x2  }
0x5b: {  	[tilespmem:s22+$0x19700] =	vst v0  }
0x5c: {  	v0 =	vld.idx.msk [tilespmem:v1+s6+$0x0], $0xffff  }
0x5d: {  	vm0 =	vlt.s32 v2, $0xC37F  }
0x5e: {  	v1 =	vnsel vm0, $0xC37F, v2  }
0x5f: {  	v2 =	vld [tilespmem:s22+$0x18730];
	_ =	sdelay $0x2  }
0x60: {  	[tilespmem:s22+$0x19710] =	vst v0  }
0x61: {  	v0 =	vld.idx.msk [tilespmem:v1+s6+$0x0], $0xffff  }
0x62: {  	vm0 =	vlt.s32 v2, $0xC37F  }
0x63: {  	v1 =	vnsel vm0, $0xC37F, v2  }
0x64: {  	v2 =	vld [tilespmem:s22+$0x18740];
	_ =	sdelay $0x2  }
0x65: {  	[tilespmem:s22+$0x19720] =	vst v0  }
0x66: {  	v0 =	vld.idx.msk [tilespmem:v1+s6+$0x0], $0xffff  }
0x67: {  	vm0 =	vlt.s32 v2, $0xC37F  }
0x68: {  	v1 =	vnsel vm0, $0xC37F, v2  }
0x69: {  	v2 =	vld [tilespmem:s22+$0x18750];
	_ =	sdelay $0x2  }
0x6a: {  	[tilespmem:s22+$0x19730] =	vst v0  }
0x6b: {  	v0 =	vld.idx.msk [tilespmem:v1+s6+$0x0], $0xffff  }
0x6c: {  	vm0 =	vlt.s32 v2, $0xC37F  }
0x6d: {  	v1 =	vnsel vm0, $0xC37F, v2  }
0x6e: {  	v2 =	vld [tilespmem:s22+$0x18760];
	_ =	sdelay $0x2  }
0x6f: {  	[tilespmem:s22+$0x19740] =	vst v0  }
0x70: {  	v0 =	vld.idx.msk [tilespmem:v1+s6+$0x0], $0xffff  }
0x71: {  	vm0 =	vlt.s32 v2, $0xC37F  }
0x72: {  	v1 =	vnsel vm0, $0xC37F, v2  }
0x73: {  	v2 =	vld [tilespmem:s22+$0x18770];
	_ =	sdelay $0x2  }
0x74: {  	[tilespmem:s22+$0x19750] =	vst v0  }
0x75: {  	v0 =	vld.idx.msk [tilespmem:v1+s6+$0x0], $0xffff  }
0x76: {  	vm0 =	vlt.s32 v2, $0xC37F  }
0x77: {  	v1 =	vnsel vm0, $0xC37F, v2  }
0x78: {  	v2 =	vld [tilespmem:s22+$0x18780];
	_ =	sdelay $0x2  }
0x79: {  	[tilespmem:s22+$0x19760] =	vst v0  }
0x7a: {  	v0 =	vld.idx.msk [tilespmem:v1+s6+$0x0], $0xffff  }
0x7b: {  	vm0 =	vlt.s32 v2, $0xC37F  }
0x7c: {  	v1 =	vnsel vm0, $0xC37F, v2  }
0x7d: {  	v2 =	vld [tilespmem:s22+$0x18790];
	_ =	sdelay $0x2  }
0x7e: {  	[tilespmem:s22+$0x19770] =	vst v0  }
0x7f: {  	v0 =	vld.idx.msk [tilespmem:v1+s6+$0x0], $0xffff  }
0x80: {  	vm0 =	vlt.s32 v2, $0xC37F  }
0x81: {  	v1 =	vnsel vm0, $0xC37F, v2  }
0x82: {  	v2 =	vld [tilespmem:s22+$0x187A0];
	_ =	sdelay $0x2  }
0x83: {  	[tilespmem:s22+$0x19780] =	vst v0  }
0x84: {  	v0 =	vld.idx.msk [tilespmem:v1+s6+$0x0], $0xffff  }
0x85: {  	vm0 =	vlt.s32 v2, $0xC37F  }
0x86: {  	v1 =	vnsel vm0, $0xC37F, v2  }
0x87: {  	v2 =	vld [tilespmem:s22+$0x187B0];
	_ =	sdelay $0x2  }
0x88: {  	[tilespmem:s22+$0x19790] =	vst v0  }
0x89: {  	v0 =	vld.idx.msk [tilespmem:v1+s6+$0x0], $0xffff  }
0x8a: {  	vm0 =	vlt.s32 v2, $0xC37F  }
0x8b: {  	v1 =	vnsel vm0, $0xC37F, v2  }
0x8c: {  	v2 =	vld [tilespmem:s22+$0x187C0];
	_ =	sdelay $0x2  }
0x8d: {  	[tilespmem:s22+$0x197A0] =	vst v0  }
0x8e: {  	v0 =	vld.idx.msk [tilespmem:v1+s6+$0x0], $0xffff  }
0x8f: {  	vm0 =	vlt.s32 v2, $0xC37F  }
0x90: {  	v1 =	vnsel vm0, $0xC37F, v2  }
0x91: {  	v2 =	vld [tilespmem:s22+$0x187D0];
	_ =	sdelay $0x2  }
0x92: {  	[tilespmem:s22+$0x197B0] =	vst v0  }
0x93: {  	v0 =	vld.idx.msk [tilespmem:v1+s6+$0x0], $0xffff  }
0x94: {  	vm0 =	vlt.s32 v2, $0xC37F  }
0x95: {  	v1 =	vnsel vm0, $0xC37F, v2  }
0x96: {  	v2 =	vld [tilespmem:s22+$0x187E0];
	_ =	sdelay $0x2  }
0x97: {  	[tilespmem:s22+$0x197C0] =	vst v0  }
0x98: {  	v0 =	vld.idx.msk [tilespmem:v1+s6+$0x0], $0xffff  }
0x99: {  	vm0 =	vlt.s32 v2, $0xC37F  }
0x9a: {  	v1 =	vnsel vm0, $0xC37F, v2  }
0x9b: {  	v2 =	vld [tilespmem:s22+$0x187F0];
	_ =	sdelay $0x1  }
.Ltmp0:
0x9c: {  	(pc) =	sbr.rel @p0 .LBB2_3-.Ltmp0, $4  }
0x9d: {  	[tilespmem:s22+$0x197D0] =	vst v0  }
0x9e: {  	v0 =	vld.idx.msk [tilespmem:v1+s6+$0x0], $0xffff  }
0x9f: {  	vm0 =	vlt.s32 v2, $0xC37F  }
0xa0: {  	s25 =	sshra.s32 s23, $0x2;
	s23 =	sadd.s32 $0x400, s23;
	v1 =	vnsel vm0, $0xC37F, v2  }
0xa1: {  	v2 =	vld [tilespmem:s25+$0x18700];
	_ =	sdelay $0x3  }
0xa2: {  	[tilespmem:s22+$0x197E0] =	vst v0  }
0xa3: {  	v0 =	vld.idx.msk [tilespmem:v1+s6+$0x0], $0xffff;
	vm0 =	vlt.s32 v2, $0xC37F  }
0xa4: {  	v1 =	vnsel vm0, $0xC37F, v2;
	v2 =	vld [tilespmem:s25+$0x18710];
	_ =	sdelay $0x3  }
0xa5: {  	[tilespmem:s22+$0x197F0] =	vst v0  }
0xa6: {  	v0 =	vld.idx.msk [tilespmem:v1+s6+$0x0], $0xffff;
	vm7 =	vlt.s32 v2, $0xC37F  }
0xa7: {  	v1 =	vnsel vm7, $0xC37F, v2;
	v2 =	vld [tilespmem:s25+$0x18720];
	_ =	sdelay $0x3  }
0xa8: {  	[tilespmem:s25+$0x19700] =	vst v0  }
0xa9: {  	v0 =	vld.idx.msk [tilespmem:v1+s6+$0x0], $0xffff;
	vm8 =	vlt.s32 v2, $0xC37F  }
0xaa: {  	v1 =	vnsel vm8, $0xC37F, v2;
	v2 =	vld [tilespmem:s25+$0x18730];
	_ =	sdelay $0x3  }
0xab: {  	[tilespmem:s25+$0x19710] =	vst v0  }
0xac: {  	v0 =	vld.idx.msk [tilespmem:v1+s6+$0x0], $0xffff;
	vm9 =	vlt.s32 v2, $0xC37F  }
0xad: {  	v1 =	vnsel vm9, $0xC37F, v2;
	v2 =	vld [tilespmem:s25+$0x18740];
	_ =	sdelay $0x3  }
0xae: {  	[tilespmem:s25+$0x19720] =	vst v0  }
0xaf: {  	v0 =	vld.idx.msk [tilespmem:v1+s6+$0x0], $0xffff;
	vm10 =	vlt.s32 v2, $0xC37F  }
0xb0: {  	v1 =	vnsel vm10, $0xC37F, v2;
	v2 =	vld [tilespmem:s25+$0x18750];
	_ =	sdelay $0x3  }
0xb1: {  	[tilespmem:s25+$0x19730] =	vst v0  }
0xb2: {  	v0 =	vld.idx.msk [tilespmem:v1+s6+$0x0], $0xffff;
	vm11 =	vlt.s32 v2, $0xC37F  }
0xb3: {  	v1 =	vnsel vm11, $0xC37F, v2;
	v2 =	vld [tilespmem:s25+$0x18760];
	_ =	sdelay $0x3  }
0xb4: {  	[tilespmem:s25+$0x19740] =	vst v0  }
0xb5: {  	v0 =	vld.idx.msk [tilespmem:v1+s6+$0x0], $0xffff;
	vm12 =	vlt.s32 v2, $0xC37F  }
0xb6: {  	v1 =	vnsel vm12, $0xC37F, v2;
	v2 =	vld [tilespmem:s25+$0x18770];
	_ =	sdelay $0x3  }
0xb7: {  	[tilespmem:s25+$0x19750] =	vst v0  }
0xb8: {  	v0 =	vld.idx.msk [tilespmem:v1+s6+$0x0], $0xffff;
	vm13 =	vlt.s32 v2, $0xC37F  }
0xb9: {  	v1 =	vnsel vm13, $0xC37F, v2;
	v2 =	vld [tilespmem:s25+$0x18780];
	_ =	sdelay $0x3  }
0xba: {  	[tilespmem:s25+$0x19760] =	vst v0  }
0xbb: {  	v0 =	vld.idx.msk [tilespmem:v1+s6+$0x0], $0xffff;
	vm14 =	vlt.s32 v2, $0xC37F  }
0xbc: {  	v1 =	vnsel vm14, $0xC37F, v2;
	v2 =	vld [tilespmem:s25+$0x18790];
	_ =	sdelay $0x3  }
0xbd: {  	[tilespmem:s25+$0x19770] =	vst v0  }
0xbe: {  	v0 =	vld.idx.msk [tilespmem:v1+s6+$0x0], $0xffff;
	vm15 =	vlt.s32 v2, $0xC37F  }
0xbf: {  	v1 =	vnsel vm15, $0xC37F, v2;
	v2 =	vld [tilespmem:s25+$0x187A0];
	_ =	sdelay $0x3  }
0xc0: {  	[tilespmem:s25+$0x19780] =	vst v0  }
0xc1: {  	v0 =	vld.idx.msk [tilespmem:v1+s6+$0x0], $0xffff;
	vm4 =	vlt.s32 v2, $0xC37F  }
0xc2: {  	v1 =	vnsel vm4, $0xC37F, v2;
	v2 =	vld [tilespmem:s25+$0x187B0];
	_ =	sdelay $0x3  }
0xc3: {  	[tilespmem:s25+$0x19790] =	vst v0  }
0xc4: {  	v0 =	vld.idx.msk [tilespmem:v1+s6+$0x0], $0xffff;
	vm5 =	vlt.s32 v2, $0xC37F  }
0xc5: {  	v1 =	vnsel vm5, $0xC37F, v2;
	v2 =	vld [tilespmem:s25+$0x187C0];
	_ =	sdelay $0x3  }
0xc6: {  	[tilespmem:s25+$0x197A0] =	vst v0  }
0xc7: {  	v0 =	vld.idx.msk [tilespmem:v1+s6+$0x0], $0xffff;
	vm6 =	vlt.s32 v2, $0xC37F  }
0xc8: {  	v1 =	vnsel vm6, $0xC37F, v2;
	v2 =	vld [tilespmem:s25+$0x187D0];
	_ =	sdelay $0x3  }
0xc9: {  	[tilespmem:s25+$0x197B0] =	vst v0  }
0xca: {  	v0 =	vld.idx.msk [tilespmem:v1+s6+$0x0], $0xffff;
	vm7 =	vlt.s32 v2, $0xC37F  }
0xcb: {  	v1 =	vnsel vm7, $0xC37F, v2;
	v2 =	vld [tilespmem:s25+$0x187E0];
	_ =	sdelay $0x3  }
0xcc: {  	[tilespmem:s25+$0x197C0] =	vst v0  }
0xcd: {  	v0 =	vld.idx.msk [tilespmem:v1+s6+$0x0], $0xffff;
	vm8 =	vlt.s32 v2, $0xC37F  }
0xce: {  	v1 =	vnsel vm8, $0xC37F, v2;
	v2 =	vld [tilespmem:s25+$0x187F0];
	_ =	sdelay $0x3  }
0xcf: {  	[tilespmem:s25+$0x197D0] =	vst v0  }
0xd0: {  	v0 =	vld.idx.msk [tilespmem:v1+s6+$0x0], $0xffff;
	vm9 =	vlt.s32 v2, $0xC37F  }
0xd1: {  	v1 =	vnsel vm9, $0xC37F, v2  }
0xd2: {  	p0 =	seq.s32 s24, $0x33  }
0xd3: {  	s23 =	sadd.s32 @!p0 $0x1, s21  }
0xd4: {  	s21 =	sshrl.u32 @!p0 s23, $0x6;
	s22 =	sshrl.u32 @!p0 s23, $0x3  }
0xd5: {  	s21 =	smul.u32 @!p0 $0x61C000, s21;
	s22 =	sand.u32 @!p0 $0x7, s22;
	[tilespmem:s25+$0x197E0] =	vst v0  }
0xd6: {  	s22 =	smul.u32 @!p0 $0xC3800, s22;
	v0 =	vld.idx.msk [tilespmem:v1+s6+$0x0], $0xffff  }
0xd7: {  	s23 =	sshll.u32 @!p0 s23, $0x7  }
0xd8: {  	s23 =	sand.u32 @!p0 $0x380, s23;
	s26 =	sadd.s32 @!p0 s21, s22  }
0xd9: {  	s26 =	sor.u32 @!p0 s23, s26  }
0xda: {  	s28 =	simm.s32 @!p0 $0x400;
	s26 =	sshrl.u32 @!p0 s26, $0x3  }
0xdb: {  	s29 =	simm.s32 @!p0 $0x0;
	s26 =	sadd.s32 @!p0 s2, s26;
	[tilespmem:s25+$0x197F0] =	vst v0;
	s25 =	simm.s32 @!p0 $0x80  }
0xdc: {  	[tilespmem:s29], [sflag:$0x1] =	stream.strided.gather @!p0 [hbm4b:s26+s25], $0xC380, s28, s25, $0x38;
	[tilespmem:$0x1A700] =	vst v63  }
0xdd: {  	_ =	swait.ge [sflag:s16], $0xC380  }
0xde: {  	[sflag:s16] =	ssyncset.done $0x0  }
0xdf: {  	s26 =	simm.s32 $0x0;
	[sflag:s16] =	ssyncadd.s32 $0xFFFF3C80  }
0xe0: {  	v0 =	vld [tilespmem:s26+$0x18700];
	_ =	sdelay $0x4  }
0xe1: {  	v1 =	vadd.s32 $0xFFFF3C80, v0  }
0xe2: {  	vm10 =	vgt.s32 v1, $0x0  }
0xe3: {  	v2 =	vld [tilespmem:s26+$0x18710];
	v1 =	vnsel vm10, $0x0, v1  }
0xe4: {  	v1 =	vmin.u32 v1, $0xC31F;
	_ =	sdelay $0x3  }
0xe5: {  	v4 =	vld [tilespmem:s26+$0x19700];
	v3 =	vadd.s32 $0xFFFF3C80, v2  }
0xe6: {  	vm11 =	vgt.s32 v3, $0x0;
	v1 =	vld.idx.msk [tilespmem:v1+s12+$0x0], $0xffff  }
0xe7: {  	v3 =	vnsel vm11, $0x0, v3  }
0xe8: {  	v5 =	vld [tilespmem:s26+$0x18720];
	v3 =	vmin.u32 v3, $0xC31F;
	_ =	sdelay $0x1  }
0xe9: {  	vm12 =	vgt.s32 v0, $0xC37F  }
0xea: {  	v0 =	vsel vm12, v1, v4  }
0xeb: {  	[tilespmem:s26+$0x19700] =	vst v0  }
0xec: {  	v1 =	vadd.s32 $0xFFFF3C80, v5;
	v0 =	vld.idx.msk [tilespmem:v3+s12+$0x0], $0xffff  }
0xed: {  	vm13 =	vgt.s32 v1, $0x0;
	v3 =	vld [tilespmem:s26+$0x19710]  }
0xee: {  	v1 =	vnsel vm13, $0x0, v1  }
0xef: {  	v4 =	vld [tilespmem:s26+$0x18730];
	v1 =	vmin.u32 v1, $0xC31F;
	_ =	sdelay $0x1  }
0xf0: {  	vm14 =	vgt.s32 v2, $0xC37F  }
0xf1: {  	v0 =	vsel vm14, v0, v3  }
0xf2: {  	[tilespmem:s26+$0x19710] =	vst v0  }
0xf3: {  	v0 =	vld.idx.msk [tilespmem:v1+s12+$0x0], $0xffff;
	v1 =	vadd.s32 $0xFFFF3C80, v4  }
0xf4: {  	v2 =	vld [tilespmem:s26+$0x19720];
	vm15 =	vgt.s32 v1, $0x0  }
0xf5: {  	v1 =	vnsel vm15, $0x0, v1  }
0xf6: {  	v3 =	vld [tilespmem:s26+$0x18740];
	v1 =	vmin.u32 v1, $0xC31F;
	_ =	sdelay $0x1  }
0xf7: {  	vm4 =	vgt.s32 v5, $0xC37F  }
0xf8: {  	v0 =	vsel vm4, v0, v2  }
0xf9: {  	[tilespmem:s26+$0x19720] =	vst v0  }
0xfa: {  	v0 =	vld.idx.msk [tilespmem:v1+s12+$0x0], $0xffff;
	v1 =	vadd.s32 $0xFFFF3C80, v3  }
0xfb: {  	v2 =	vld [tilespmem:s26+$0x19730];
	vm5 =	vgt.s32 v1, $0x0  }
0xfc: {  	v1 =	vnsel vm5, $0x0, v1  }
0xfd: {  	v5 =	vld [tilespmem:s26+$0x18750];
	v1 =	vmin.u32 v1, $0xC31F;
	_ =	sdelay $0x1  }
0xfe: {  	vm6 =	vgt.s32 v4, $0xC37F  }
0xff: {  	v0 =	vsel vm6, v0, v2  }
0x100: {  	[tilespmem:s26+$0x19730] =	vst v0  }
0x101: {  	v0 =	vld.idx.msk [tilespmem:v1+s12+$0x0], $0xffff;
	v1 =	vadd.s32 $0xFFFF3C80, v5  }
0x102: {  	v2 =	vld [tilespmem:s26+$0x19740];
	vm7 =	vgt.s32 v1, $0x0  }
0x103: {  	v1 =	vnsel vm7, $0x0, v1  }
0x104: {  	v4 =	vld [tilespmem:s26+$0x18760];
	v1 =	vmin.u32 v1, $0xC31F;
	_ =	sdelay $0x1  }
0x105: {  	vm8 =	vgt.s32 v3, $0xC37F  }
0x106: {  	v0 =	vsel vm8, v0, v2  }
0x107: {  	[tilespmem:s26+$0x19740] =	vst v0  }
0x108: {  	v0 =	vld.idx.msk [tilespmem:v1+s12+$0x0], $0xffff;
	v1 =	vadd.s32 $0xFFFF3C80, v4  }
0x109: {  	v2 =	vld [tilespmem:s26+$0x19750];
	vm9 =	vgt.s32 v1, $0x0  }
0x10a: {  	v1 =	vnsel vm9, $0x0, v1  }
0x10b: {  	v3 =	vld [tilespmem:s26+$0x18770];
	v1 =	vmin.u32 v1, $0xC31F;
	_ =	sdelay $0x1  }
0x10c: {  	vm10 =	vgt.s32 v5, $0xC37F  }
0x10d: {  	v0 =	vsel vm10, v0, v2  }
0x10e: {  	[tilespmem:s26+$0x19750] =	vst v0  }
0x10f: {  	v0 =	vld.idx.msk [tilespmem:v1+s12+$0x0], $0xffff;
	v1 =	vadd.s32 $0xFFFF3C80, v3  }
0x110: {  	v2 =	vld [tilespmem:s26+$0x19760];
	vm11 =	vgt.s32 v1, $0x0  }
0x111: {  	v1 =	vnsel vm11, $0x0, v1  }
0x112: {  	v5 =	vld [tilespmem:s26+$0x18780];
	v1 =	vmin.u32 v1, $0xC31F;
	_ =	sdelay $0x1  }
0x113: {  	vm12 =	vgt.s32 v4, $0xC37F  }
0x114: {  	v0 =	vsel vm12, v0, v2  }
0x115: {  	[tilespmem:s26+$0x19760] =	vst v0  }
0x116: {  	v0 =	vld.idx.msk [tilespmem:v1+s12+$0x0], $0xffff;
	v1 =	vadd.s32 $0xFFFF3C80, v5  }
0x117: {  	v2 =	vld [tilespmem:s26+$0x19770];
	vm13 =	vgt.s32 v1, $0x0  }
0x118: {  	v1 =	vnsel vm13, $0x0, v1  }
0x119: {  	v4 =	vld [tilespmem:s26+$0x18790];
	v1 =	vmin.u32 v1, $0xC31F;
	_ =	sdelay $0x1  }
0x11a: {  	vm14 =	vgt.s32 v3, $0xC37F  }
0x11b: {  	v0 =	vsel vm14, v0, v2  }
0x11c: {  	[tilespmem:s26+$0x19770] =	vst v0  }
0x11d: {  	v0 =	vld.idx.msk [tilespmem:v1+s12+$0x0], $0xffff;
	v1 =	vadd.s32 $0xFFFF3C80, v4  }
0x11e: {  	v2 =	vld [tilespmem:s26+$0x19780];
	vm15 =	vgt.s32 v1, $0x0  }
0x11f: {  	v1 =	vnsel vm15, $0x0, v1  }
0x120: {  	v3 =	vld [tilespmem:s26+$0x187A0];
	v1 =	vmin.u32 v1, $0xC31F;
	_ =	sdelay $0x1  }
0x121: {  	vm4 =	vgt.s32 v5, $0xC37F  }
0x122: {  	v0 =	vsel vm4, v0, v2  }
0x123: {  	[tilespmem:s26+$0x19780] =	vst v0  }
0x124: {  	v0 =	vld.idx.msk [tilespmem:v1+s12+$0x0], $0xffff;
	v1 =	vadd.s32 $0xFFFF3C80, v3  }
0x125: {  	v2 =	vld [tilespmem:s26+$0x19790];
	vm5 =	vgt.s32 v1, $0x0  }
0x126: {  	v1 =	vnsel vm5, $0x0, v1  }
0x127: {  	v5 =	vld [tilespmem:s26+$0x187B0];
	v1 =	vmin.u32 v1, $0xC31F;
	_ =	sdelay $0x1  }
0x128: {  	vm6 =	vgt.s32 v4, $0xC37F  }
0x129: {  	v0 =	vsel vm6, v0, v2  }
0x12a: {  	[tilespmem:s26+$0x19790] =	vst v0  }
0x12b: {  	v0 =	vld.idx.msk [tilespmem:v1+s12+$0x0], $0xffff;
	v1 =	vadd.s32 $0xFFFF3C80, v5  }
0x12c: {  	v2 =	vld [tilespmem:s26+$0x197A0];
	vm7 =	vgt.s32 v1, $0x0  }
0x12d: {  	v1 =	vnsel vm7, $0x0, v1  }
0x12e: {  	v4 =	vld [tilespmem:s26+$0x187C0];
	v1 =	vmin.u32 v1, $0xC31F;
	_ =	sdelay $0x1  }
0x12f: {  	vm8 =	vgt.s32 v3, $0xC37F  }
0x130: {  	v0 =	vsel vm8, v0, v2  }
0x131: {  	[tilespmem:s26+$0x197A0] =	vst v0  }
0x132: {  	v0 =	vld.idx.msk [tilespmem:v1+s12+$0x0], $0xffff;
	v1 =	vadd.s32 $0xFFFF3C80, v4  }
0x133: {  	v2 =	vld [tilespmem:s26+$0x197B0];
	vm9 =	vgt.s32 v1, $0x0  }
0x134: {  	v1 =	vnsel vm9, $0x0, v1  }
0x135: {  	v3 =	vld [tilespmem:s26+$0x187D0];
	v1 =	vmin.u32 v1, $0xC31F;
	_ =	sdelay $0x1  }
0x136: {  	vm10 =	vgt.s32 v5, $0xC37F  }
0x137: {  	v0 =	vsel vm10, v0, v2  }
0x138: {  	[tilespmem:s26+$0x197B0] =	vst v0  }
0x139: {  	v0 =	vld.idx.msk [tilespmem:v1+s12+$0x0], $0xffff;
	v1 =	vadd.s32 $0xFFFF3C80, v3  }
0x13a: {  	vm11 =	vgt.s32 v1, $0x0  }
0x13b: {  	v2 =	vld [tilespmem:s26+$0x197C0];
	v1 =	vnsel vm11, $0x0, v1  }
0x13c: {  	v5 =	vmin.u32 v1, $0xC31F;
	v1 =	vld [tilespmem:s26+$0x187E0];
	_ =	sdelay $0x2  }
0x13d: {  	vm12 =	vgt.s32 v4, $0xC37F  }
0x13e: {  	v0 =	vsel vm12, v0, v2  }
0x13f: {  	v4 =	vld [tilespmem:s26+$0x197D0];
	[tilespmem:s26+$0x197C0] =	vst v0;
	v0 =	vadd.s32 $0xFFFF3C80, v1  }
0x140: {  	v2 =	vld.idx.msk [tilespmem:v5+s12+$0x0], $0xffff;
	vm13 =	vgt.s32 v0, $0x0  }
0x141: {  	v5 =	vnsel vm13, $0x0, v0;
	v0 =	vld [tilespmem:s26+$0x187F0]  }
0x142: {  	v5 =	vmin.u32 v5, $0xC31F;
	_ =	sdelay $0x1  }
0x143: {  	vm14 =	vgt.s32 v3, $0xC37F  }
0x144: {  	v2 =	vsel vm14, v2, v4  }
0x145: {  	v3 =	vld [tilespmem:s26+$0x197E0];
	[tilespmem:s26+$0x197D0] =	vst v2;
	v4 =	vadd.s32 $0xFFFF3C80, v0  }
0x146: {  	s31 =	sshll.u32 s19, $0x4;
	s24 =	sadd.s32 $0x1, s24;
	v2 =	vld.idx.msk [tilespmem:v5+s12+$0x0], $0xffff;
	vm15 =	vgt.s32 v4, $0x0  }
0x147: {  	s25 =	sand.u32 $0x70, s31;
	s29 =	simm.s32 $0x100;
	s28 =	simm.s32 $0x800;
	v4 =	vnsel vm15, $0x0, v4  }
.LBB2_5:
0x148: {  	p1 =	sne.s32 s28, $0x3C00;
	v5 =	vld [tilespmem:s29+$0x18700];
	v4 =	vmin.u32 v4, $0xC31F;
	_ =	sdelay $0x1  }
0x149: {  	vm0 =	vgt.s32 v1, $0xC37F  }
0x14a: {  	v1 =	vsel vm0, v2, v3  }
0x14b: {  	[tilespmem:s26+$0x197E0] =	vst v1  }
0x14c: {  	v1 =	vadd.s32 $0xFFFF3C80, v5;
	v2 =	vld.idx.msk [tilespmem:v4+s12+$0x0], $0xffff  }
0x14d: {  	vm0 =	vgt.s32 v1, $0x0;
	v3 =	vld [tilespmem:s26+$0x197F0]  }
0x14e: {  	v1 =	vnsel vm0, $0x0, v1  }
0x14f: {  	v1 =	vmin.u32 v1, $0xC31F;
	v4 =	vld [tilespmem:s29+$0x18710];
	_ =	sdelay $0x1  }
0x150: {  	vm0 =	vgt.s32 v0, $0xC37F  }
0x151: {  	v0 =	vsel vm0, v2, v3  }
0x152: {  	[tilespmem:s26+$0x197F0] =	vst v0;
	s26 =	smov.u32 s29  }
0x153: {  	v0 =	vld.idx.msk [tilespmem:v1+s12+$0x0], $0xffff;
	v1 =	vadd.s32 $0xFFFF3C80, v4  }
0x154: {  	v2 =	vld [tilespmem:s26+$0x19700];
	vm0 =	vgt.s32 v1, $0x0  }
0x155: {  	v1 =	vnsel vm0, $0x0, v1  }
0x156: {  	v1 =	vmin.u32 v1, $0xC31F;
	v3 =	vld [tilespmem:s26+$0x18720];
	_ =	sdelay $0x1  }
0x157: {  	vm0 =	vgt.s32 v5, $0xC37F  }
0x158: {  	v0 =	vsel vm0, v0, v2  }
0x159: {  	[tilespmem:s26+$0x19700] =	vst v0  }
0x15a: {  	v0 =	vld.idx.msk [tilespmem:v1+s12+$0x0], $0xffff;
	v1 =	vadd.s32 $0xFFFF3C80, v3  }
0x15b: {  	v2 =	vld [tilespmem:s26+$0x19710];
	vm0 =	vgt.s32 v1, $0x0  }
0x15c: {  	v1 =	vnsel vm0, $0x0, v1  }
0x15d: {  	v1 =	vmin.u32 v1, $0xC31F;
	v5 =	vld [tilespmem:s26+$0x18730];
	_ =	sdelay $0x1  }
0x15e: {  	vm0 =	vgt.s32 v4, $0xC37F  }
0x15f: {  	v0 =	vsel vm0, v0, v2  }
0x160: {  	[tilespmem:s26+$0x19710] =	vst v0  }
0x161: {  	v0 =	vld.idx.msk [tilespmem:v1+s12+$0x0], $0xffff;
	v1 =	vadd.s32 $0xFFFF3C80, v5  }
0x162: {  	v2 =	vld [tilespmem:s26+$0x19720];
	vm0 =	vgt.s32 v1, $0x0  }
0x163: {  	v1 =	vnsel vm0, $0x0, v1  }
0x164: {  	v1 =	vmin.u32 v1, $0xC31F;
	v4 =	vld [tilespmem:s26+$0x18740];
	_ =	sdelay $0x1  }
0x165: {  	vm0 =	vgt.s32 v3, $0xC37F  }
0x166: {  	v0 =	vsel vm0, v0, v2  }
0x167: {  	[tilespmem:s26+$0x19720] =	vst v0  }
0x168: {  	v0 =	vld.idx.msk [tilespmem:v1+s12+$0x0], $0xffff;
	v1 =	vadd.s32 $0xFFFF3C80, v4  }
0x169: {  	v2 =	vld [tilespmem:s26+$0x19730];
	vm0 =	vgt.s32 v1, $0x0  }
0x16a: {  	v1 =	vnsel vm0, $0x0, v1  }
0x16b: {  	v1 =	vmin.u32 v1, $0xC31F;
	v3 =	vld [tilespmem:s26+$0x18750];
	_ =	sdelay $0x1  }
0x16c: {  	vm0 =	vgt.s32 v5, $0xC37F  }
0x16d: {  	v0 =	vsel vm0, v0, v2  }
0x16e: {  	[tilespmem:s26+$0x19730] =	vst v0  }
0x16f: {  	v0 =	vld.idx.msk [tilespmem:v1+s12+$0x0], $0xffff;
	v1 =	vadd.s32 $0xFFFF3C80, v3  }
0x170: {  	v2 =	vld [tilespmem:s26+$0x19740];
	vm0 =	vgt.s32 v1, $0x0  }
0x171: {  	v1 =	vnsel vm0, $0x0, v1  }
0x172: {  	v1 =	vmin.u32 v1, $0xC31F;
	v5 =	vld [tilespmem:s26+$0x18760];
	_ =	sdelay $0x1  }
0x173: {  	vm0 =	vgt.s32 v4, $0xC37F  }
0x174: {  	v0 =	vsel vm0, v0, v2  }
0x175: {  	[tilespmem:s26+$0x19740] =	vst v0  }
0x176: {  	v0 =	vld.idx.msk [tilespmem:v1+s12+$0x0], $0xffff;
	v1 =	vadd.s32 $0xFFFF3C80, v5  }
0x177: {  	v2 =	vld [tilespmem:s26+$0x19750];
	vm0 =	vgt.s32 v1, $0x0  }
0x178: {  	v1 =	vnsel vm0, $0x0, v1  }
0x179: {  	v1 =	vmin.u32 v1, $0xC31F;
	v4 =	vld [tilespmem:s26+$0x18770];
	_ =	sdelay $0x1  }
0x17a: {  	vm0 =	vgt.s32 v3, $0xC37F  }
0x17b: {  	v0 =	vsel vm0, v0, v2  }
0x17c: {  	[tilespmem:s26+$0x19750] =	vst v0  }
0x17d: {  	v0 =	vld.idx.msk [tilespmem:v1+s12+$0x0], $0xffff;
	v1 =	vadd.s32 $0xFFFF3C80, v4  }
0x17e: {  	v2 =	vld [tilespmem:s26+$0x19760];
	vm0 =	vgt.s32 v1, $0x0  }
0x17f: {  	v1 =	vnsel vm0, $0x0, v1  }
0x180: {  	v1 =	vmin.u32 v1, $0xC31F;
	v3 =	vld [tilespmem:s26+$0x18780];
	_ =	sdelay $0x1  }
0x181: {  	vm0 =	vgt.s32 v5, $0xC37F  }
0x182: {  	v0 =	vsel vm0, v0, v2  }
0x183: {  	[tilespmem:s26+$0x19760] =	vst v0  }
0x184: {  	v0 =	vld.idx.msk [tilespmem:v1+s12+$0x0], $0xffff;
	v1 =	vadd.s32 $0xFFFF3C80, v3  }
0x185: {  	v2 =	vld [tilespmem:s26+$0x19770];
	vm0 =	vgt.s32 v1, $0x0  }
0x186: {  	v1 =	vnsel vm0, $0x0, v1  }
0x187: {  	v1 =	vmin.u32 v1, $0xC31F;
	v5 =	vld [tilespmem:s26+$0x18790];
	_ =	sdelay $0x1  }
0x188: {  	vm0 =	vgt.s32 v4, $0xC37F  }
0x189: {  	v0 =	vsel vm0, v0, v2  }
0x18a: {  	[tilespmem:s26+$0x19770] =	vst v0  }
0x18b: {  	v0 =	vld.idx.msk [tilespmem:v1+s12+$0x0], $0xffff;
	v1 =	vadd.s32 $0xFFFF3C80, v5  }
0x18c: {  	v2 =	vld [tilespmem:s26+$0x19780];
	vm0 =	vgt.s32 v1, $0x0  }
0x18d: {  	v1 =	vnsel vm0, $0x0, v1  }
0x18e: {  	v1 =	vmin.u32 v1, $0xC31F;
	v4 =	vld [tilespmem:s26+$0x187A0];
	_ =	sdelay $0x1  }
0x18f: {  	vm0 =	vgt.s32 v3, $0xC37F  }
0x190: {  	v0 =	vsel vm0, v0, v2  }
0x191: {  	[tilespmem:s26+$0x19780] =	vst v0  }
0x192: {  	v0 =	vld.idx.msk [tilespmem:v1+s12+$0x0], $0xffff;
	v1 =	vadd.s32 $0xFFFF3C80, v4  }
0x193: {  	v2 =	vld [tilespmem:s26+$0x19790];
	vm0 =	vgt.s32 v1, $0x0  }
0x194: {  	v1 =	vnsel vm0, $0x0, v1  }
0x195: {  	v1 =	vmin.u32 v1, $0xC31F;
	v3 =	vld [tilespmem:s26+$0x187B0];
	_ =	sdelay $0x1  }
0x196: {  	vm0 =	vgt.s32 v5, $0xC37F  }
0x197: {  	v0 =	vsel vm0, v0, v2  }
0x198: {  	[tilespmem:s26+$0x19790] =	vst v0  }
0x199: {  	v0 =	vld.idx.msk [tilespmem:v1+s12+$0x0], $0xffff;
	v1 =	vadd.s32 $0xFFFF3C80, v3  }
0x19a: {  	v2 =	vld [tilespmem:s26+$0x197A0];
	vm0 =	vgt.s32 v1, $0x0  }
0x19b: {  	v1 =	vnsel vm0, $0x0, v1  }
0x19c: {  	v1 =	vmin.u32 v1, $0xC31F;
	v5 =	vld [tilespmem:s26+$0x187C0];
	_ =	sdelay $0x1  }
0x19d: {  	vm0 =	vgt.s32 v4, $0xC37F  }
0x19e: {  	v0 =	vsel vm0, v0, v2  }
0x19f: {  	[tilespmem:s26+$0x197A0] =	vst v0  }
0x1a0: {  	v0 =	vld.idx.msk [tilespmem:v1+s12+$0x0], $0xffff;
	v1 =	vadd.s32 $0xFFFF3C80, v5  }
0x1a1: {  	v2 =	vld [tilespmem:s26+$0x197B0];
	vm0 =	vgt.s32 v1, $0x0  }
0x1a2: {  	v1 =	vnsel vm0, $0x0, v1  }
0x1a3: {  	v1 =	vmin.u32 v1, $0xC31F;
	v4 =	vld [tilespmem:s26+$0x187D0];
	_ =	sdelay $0x1  }
0x1a4: {  	vm0 =	vgt.s32 v3, $0xC37F  }
0x1a5: {  	v0 =	vsel vm0, v0, v2  }
0x1a6: {  	[tilespmem:s26+$0x197B0] =	vst v0  }
0x1a7: {  	v0 =	vld.idx.msk [tilespmem:v1+s12+$0x0], $0xffff;
	v1 =	vadd.s32 $0xFFFF3C80, v4  }
0x1a8: {  	v2 =	vld [tilespmem:s26+$0x197C0];
	vm0 =	vgt.s32 v1, $0x0  }
0x1a9: {  	v1 =	vnsel vm0, $0x0, v1  }
0x1aa: {  	v3 =	vmin.u32 v1, $0xC31F;
	v1 =	vld [tilespmem:s26+$0x187E0];
	_ =	sdelay $0x1  }
0x1ab: {  	vm0 =	vgt.s32 v5, $0xC37F  }
0x1ac: {  	v0 =	vsel vm0, v0, v2  }
0x1ad: {  	[tilespmem:s26+$0x197C0] =	vst v0  }
0x1ae: {  	v2 =	vld.idx.msk [tilespmem:v3+s12+$0x0], $0xffff;
	v0 =	vadd.s32 $0xFFFF3C80, v1  }
0x1af: {  	v3 =	vld [tilespmem:s26+$0x197D0];
	vm0 =	vgt.s32 v0, $0x0  }
0x1b0: {  	v0 =	vnsel vm0, $0x0, v0  }
0x1b1: {  	v5 =	vmin.u32 v0, $0xC31F;
	v0 =	vld [tilespmem:s26+$0x187F0];
	_ =	sdelay $0x1  }
0x1b2: {  	vm0 =	vgt.s32 v4, $0xC37F  }
.Ltmp1:
0x1b3: {  	v2 =	vsel vm0, v2, v3;
	(pc) =	sbr.rel @p1 .LBB2_5-.Ltmp1, $4  }
0x1b4: {  	[tilespmem:s26+$0x197D0] =	vst v2  }
0x1b5: {  	v2 =	vld.idx.msk [tilespmem:v5+s12+$0x0], $0xffff;
	v4 =	vadd.s32 $0xFFFF3C80, v0  }
0x1b6: {  	v3 =	vld [tilespmem:s26+$0x197E0];
	vm0 =	vgt.s32 v4, $0x0  }
0x1b7: {  	s29 =	sshra.s32 s28, $0x2;
	s28 =	sadd.s32 $0x400, s28;
	v4 =	vnsel vm0, $0x0, v4  }
0x1b8: {  	v5 =	vld [tilespmem:s29+$0x18700];
	v4 =	vmin.u32 v4, $0xC31F;
	_ =	sdelay $0x1  }
0x1b9: {  	vm0 =	vgt.s32 v1, $0xC37F  }
0x1ba: {  	v1 =	vsel vm0, v2, v3  }
0x1bb: {  	v17 =	vld [tilespmem:s26+$0x197F0];
	[tilespmem:s26+$0x197E0] =	vst v1  }
0x1bc: {  	v15 =	vadd.s32 $0xFFFF3C80, v5;
	v16 =	vld.idx.msk [tilespmem:v4+s12+$0x0], $0xffff  }
0x1bd: {  	vm7 =	vgt.s32 v15, $0x0  }
0x1be: {  	v18 =	vld [tilespmem:s29+$0x18710];
	v1 =	vnsel vm7, $0x0, v15  }
0x1bf: {  	v1 =	vmin.u32 v1, $0xC31F  }
0x1c0: {  	vm8 =	vgt.s32 v0, $0xC37F  }
0x1c1: {  	v0 =	vsel vm8, v16, v17  }
0x1c2: {  	[tilespmem:s26+$0x197F0] =	vst v0  }
0x1c3: {  	v19 =	vadd.s32 $0xFFFF3C80, v18;
	v20 =	vld [tilespmem:s29+$0x19700]  }
0x1c4: {  	vm9 =	vgt.s32 v19, $0x0;
	v0 =	vld.idx.msk [tilespmem:v1+s12+$0x0], $0xffff  }
0x1c5: {  	v21 =	vld [tilespmem:s29+$0x18720];
	v1 =	vnsel vm9, $0x0, v19  }
0x1c6: {  	v1 =	vmin.u32 v1, $0xC31F;
	_ =	sdelay $0x1  }
0x1c7: {  	vm10 =	vgt.s32 v5, $0xC37F  }
0x1c8: {  	v0 =	vsel vm10, v0, v20  }
0x1c9: {  	v23 =	vld [tilespmem:s29+$0x19710];
	v22 =	vadd.s32 $0xFFFF3C80, v21;
	[tilespmem:s29+$0x19700] =	vst v0  }
0x1ca: {  	vm11 =	vgt.s32 v22, $0x0;
	v0 =	vld.idx.msk [tilespmem:v1+s12+$0x0], $0xffff  }
0x1cb: {  	v24 =	vld [tilespmem:s29+$0x18730];
	v1 =	vnsel vm11, $0x0, v22  }
0x1cc: {  	v1 =	vmin.u32 v1, $0xC31F;
	_ =	sdelay $0x1  }
0x1cd: {  	vm12 =	vgt.s32 v18, $0xC37F  }
0x1ce: {  	v0 =	vsel vm12, v0, v23  }
0x1cf: {  	v26 =	vld [tilespmem:s29+$0x19720];
	v25 =	vadd.s32 $0xFFFF3C80, v24;
	[tilespmem:s29+$0x19710] =	vst v0  }
0x1d0: {  	vm13 =	vgt.s32 v25, $0x0;
	v0 =	vld.idx.msk [tilespmem:v1+s12+$0x0], $0xffff  }
0x1d1: {  	v27 =	vld [tilespmem:s29+$0x18740];
	v1 =	vnsel vm13, $0x0, v25  }
0x1d2: {  	v1 =	vmin.u32 v1, $0xC31F;
	_ =	sdelay $0x1  }
0x1d3: {  	vm14 =	vgt.s32 v21, $0xC37F  }
0x1d4: {  	v0 =	vsel vm14, v0, v26  }
0x1d5: {  	v29 =	vld [tilespmem:s29+$0x19730];
	v28 =	vadd.s32 $0xFFFF3C80, v27;
	[tilespmem:s29+$0x19720] =	vst v0  }
0x1d6: {  	vm15 =	vgt.s32 v28, $0x0;
	v0 =	vld.idx.msk [tilespmem:v1+s12+$0x0], $0xffff  }
0x1d7: {  	v30 =	vld [tilespmem:s29+$0x18750];
	v1 =	vnsel vm15, $0x0, v28  }
0x1d8: {  	v1 =	vmin.u32 v1, $0xC31F;
	_ =	sdelay $0x1  }
0x1d9: {  	vm4 =	vgt.s32 v24, $0xC37F  }
0x1da: {  	v0 =	vsel vm4, v0, v29  }
0x1db: {  	v32 =	vld [tilespmem:s29+$0x19740];
	v31 =	vadd.s32 $0xFFFF3C80, v30;
	[tilespmem:s29+$0x19730] =	vst v0  }
0x1dc: {  	vm5 =	vgt.s32 v31, $0x0;
	v0 =	vld.idx.msk [tilespmem:v1+s12+$0x0], $0xffff  }
0x1dd: {  	v33 =	vld [tilespmem:s29+$0x18760];
	v1 =	vnsel vm5, $0x0, v31  }
0x1de: {  	v1 =	vmin.u32 v1, $0xC31F;
	_ =	sdelay $0x1  }
0x1df: {  	vm6 =	vgt.s32 v27, $0xC37F  }
0x1e0: {  	v0 =	vsel vm6, v0, v32  }
0x1e1: {  	v35 =	vld [tilespmem:s29+$0x19750];
	v34 =	vadd.s32 $0xFFFF3C80, v33;
	[tilespmem:s29+$0x19740] =	vst v0  }
0x1e2: {  	vm7 =	vgt.s32 v34, $0x0;
	v0 =	vld.idx.msk [tilespmem:v1+s12+$0x0], $0xffff  }
0x1e3: {  	v36 =	vld [tilespmem:s29+$0x18770];
	v1 =	vnsel vm7, $0x0, v34  }
0x1e4: {  	v1 =	vmin.u32 v1, $0xC31F;
	_ =	sdelay $0x1  }
0x1e5: {  	vm8 =	vgt.s32 v30, $0xC37F  }
0x1e6: {  	v0 =	vsel vm8, v0, v35  }
0x1e7: {  	v38 =	vld [tilespmem:s29+$0x19760];
	v37 =	vadd.s32 $0xFFFF3C80, v36;
	[tilespmem:s29+$0x19750] =	vst v0  }
0x1e8: {  	vm9 =	vgt.s32 v37, $0x0;
	v0 =	vld.idx.msk [tilespmem:v1+s12+$0x0], $0xffff  }
0x1e9: {  	v39 =	vld [tilespmem:s29+$0x18780];
	v1 =	vnsel vm9, $0x0, v37  }
0x1ea: {  	v1 =	vmin.u32 v1, $0xC31F;
	_ =	sdelay $0x1  }
0x1eb: {  	vm10 =	vgt.s32 v33, $0xC37F  }
0x1ec: {  	v0 =	vsel vm10, v0, v38  }
0x1ed: {  	v41 =	vld [tilespmem:s29+$0x19770];
	v40 =	vadd.s32 $0xFFFF3C80, v39;
	[tilespmem:s29+$0x19760] =	vst v0  }
0x1ee: {  	vm11 =	vgt.s32 v40, $0x0;
	v0 =	vld.idx.msk [tilespmem:v1+s12+$0x0], $0xffff  }
0x1ef: {  	v42 =	vld [tilespmem:s29+$0x18790];
	v1 =	vnsel vm11, $0x0, v40  }
0x1f0: {  	v1 =	vmin.u32 v1, $0xC31F;
	_ =	sdelay $0x1  }
0x1f1: {  	vm12 =	vgt.s32 v36, $0xC37F  }
0x1f2: {  	v0 =	vsel vm12, v0, v41  }
0x1f3: {  	v44 =	vld [tilespmem:s29+$0x19780];
	v43 =	vadd.s32 $0xFFFF3C80, v42;
	[tilespmem:s29+$0x19770] =	vst v0  }
0x1f4: {  	vm13 =	vgt.s32 v43, $0x0;
	v0 =	vld.idx.msk [tilespmem:v1+s12+$0x0], $0xffff  }
0x1f5: {  	v45 =	vld [tilespmem:s29+$0x187A0];
	v1 =	vnsel vm13, $0x0, v43  }
0x1f6: {  	v1 =	vmin.u32 v1, $0xC31F;
	_ =	sdelay $0x1  }
0x1f7: {  	vm14 =	vgt.s32 v39, $0xC37F  }
0x1f8: {  	v0 =	vsel vm14, v0, v44  }
0x1f9: {  	v47 =	vld [tilespmem:s29+$0x19790];
	v46 =	vadd.s32 $0xFFFF3C80, v45;
	[tilespmem:s29+$0x19780] =	vst v0  }
0x1fa: {  	vm15 =	vgt.s32 v46, $0x0;
	v0 =	vld.idx.msk [tilespmem:v1+s12+$0x0], $0xffff  }
0x1fb: {  	v48 =	vld [tilespmem:s29+$0x187B0];
	v1 =	vnsel vm15, $0x0, v46  }
0x1fc: {  	v1 =	vmin.u32 v1, $0xC31F;
	_ =	sdelay $0x1  }
0x1fd: {  	vm4 =	vgt.s32 v42, $0xC37F  }
0x1fe: {  	v0 =	vsel vm4, v0, v47  }
0x1ff: {  	v50 =	vld [tilespmem:s29+$0x197A0];
	v49 =	vadd.s32 $0xFFFF3C80, v48;
	[tilespmem:s29+$0x19790] =	vst v0  }
0x200: {  	vm5 =	vgt.s32 v49, $0x0;
	v0 =	vld.idx.msk [tilespmem:v1+s12+$0x0], $0xffff  }
0x201: {  	v51 =	vld [tilespmem:s29+$0x187C0];
	v1 =	vnsel vm5, $0x0, v49  }
0x202: {  	v1 =	vmin.u32 v1, $0xC31F;
	_ =	sdelay $0x1  }
0x203: {  	vm6 =	vgt.s32 v45, $0xC37F  }
0x204: {  	v0 =	vsel vm6, v0, v50  }
0x205: {  	v53 =	vld [tilespmem:s29+$0x197B0];
	v52 =	vadd.s32 $0xFFFF3C80, v51;
	[tilespmem:s29+$0x197A0] =	vst v0  }
0x206: {  	vm7 =	vgt.s32 v52, $0x0;
	v0 =	vld.idx.msk [tilespmem:v1+s12+$0x0], $0xffff  }
0x207: {  	v54 =	vld [tilespmem:s29+$0x187D0];
	v1 =	vnsel vm7, $0x0, v52  }
0x208: {  	v1 =	vmin.u32 v1, $0xC31F;
	_ =	sdelay $0x1  }
0x209: {  	vm8 =	vgt.s32 v48, $0xC37F  }
0x20a: {  	v0 =	vsel vm8, v0, v53  }
0x20b: {  	v56 =	vld [tilespmem:s29+$0x197C0];
	v55 =	vadd.s32 $0xFFFF3C80, v54;
	[tilespmem:s29+$0x197B0] =	vst v0  }
0x20c: {  	vm9 =	vgt.s32 v55, $0x0;
	v0 =	vld.idx.msk [tilespmem:v1+s12+$0x0], $0xffff  }
0x20d: {  	v57 =	vld [tilespmem:s29+$0x187E0];
	v1 =	vnsel vm9, $0x0, v55  }
0x20e: {  	v1 =	vmin.u32 v1, $0xC31F;
	_ =	sdelay $0x1  }
0x20f: {  	vm10 =	vgt.s32 v51, $0xC37F  }
0x210: {  	v0 =	vsel vm10, v0, v56  }
0x211: {  	v59 =	vld [tilespmem:s29+$0x197D0];
	v58 =	vadd.s32 $0xFFFF3C80, v57;
	[tilespmem:s29+$0x197C0] =	vst v0  }
0x212: {  	vm11 =	vgt.s32 v58, $0x0;
	v0 =	vld.idx.msk [tilespmem:v1+s12+$0x0], $0xffff  }
0x213: {  	v60 =	vld [tilespmem:s29+$0x187F0];
	v1 =	vnsel vm11, $0x0, v58  }
0x214: {  	v1 =	vmin.u32 v1, $0xC31F;
	_ =	sdelay $0x1  }
0x215: {  	vm12 =	vgt.s32 v54, $0xC37F  }
0x216: {  	v0 =	vsel vm12, v0, v59  }
0x217: {  	v62 =	vld [tilespmem:s29+$0x197E0];
	v61 =	vadd.s32 $0xFFFF3C80, v60;
	[tilespmem:s29+$0x197D0] =	vst v0  }
0x218: {  	vm13 =	vgt.s32 v61, $0x0;
	v0 =	vld.idx.msk [tilespmem:v1+s12+$0x0], $0xffff  }
0x219: {  	v1 =	vnsel vm13, $0x0, v61  }
0x21a: {  	v1 =	vmin.u32 v1, $0xC31F;
	_ =	sdelay $0x1  }
0x21b: {  	vm14 =	vgt.s32 v57, $0xC37F  }
0x21c: {  	v0 =	vsel vm14, v0, v62  }
0x21d: {  	v63 =	vld [tilespmem:s29+$0x197F0];
	[tilespmem:s29+$0x197E0] =	vst v0  }
0x21e: {  	v0 =	vld.idx.msk [tilespmem:v1+s12+$0x0], $0xffff;
	_ =	sdelay $0x1  }
0x21f: {  	s21 =	sor.u32 @!p0 s23, s21  }
0x220: {  	s23 =	simm.s32 @!p0 $0x400;
	s21 =	sadd.s32 @!p0 s22, s21  }
0x221: {  	s20 =	sshll.u32 s20, $0xF;
	s19 =	sshll.u32 s19, $0x9;
	s21 =	sadd.s32 @!p0 $0x61C00, s21;
	vm15 =	vgt.s32 v60, $0xC37F  }
0x222: {  	s22 =	simm.s32 @!p0 $0x80;
	s19 =	sand.u32 $0x7000, s19;
	s21 =	sshrl.u32 @!p0 s21, $0x3;
	v0 =	vsel vm15, v0, v63  }
0x223: {  	s20 =	sadd.s32 s5, s20;
	s21 =	sadd.s32 @!p0 s2, s21;
	s26 =	simm.s32 @!p0 $0xC380;
	[tilespmem:s29+$0x197F0] =	vst v0  }
0x224: {  	[tilespmem:s26], [sflag:$0x2] =	stream.strided.gather @!p0 [hbm4b:s21+s22], $0xC380, s23, s22, $0x38;
	[tilespmem:$0x1A700] =	vst v63  }
0x225: {  	s19 =	sadd.s32 s19, s20;
	p0 =	sne.s32 s24, $0x34  }
.Ltmp2:
0x226: {  	s19 =	sadd.s32 s25, s19;
	(pc) =	sbr.rel @p0 .LBB2_2-.Ltmp2, $4  }
0x227: {  	[hbm4b:s19+s10] =	stream.strided.scatter [tilespmem:s17], [sflag:$0x3], $0x1000, s11, s10, $0x38;
	[tilespmem:$0x1A700] =	vst v63  }
0x228: {  	_ =	swait.ge [sflag:s14], $0x1000  }
0x229: {  	[sflag:s14] =	ssyncset.done $0x0  }
0x22a: {  	[sflag:s14] =	ssyncadd.s32 $0xFFFFF000  }
0x22b: {  	s18 =	sadd.s32 $0x1, s18  }
0x22c: {  	p0 =	sne.s32 s18, s9  }
.Ltmp3:
0x22d: {  	_ = 	snop;
	(pc) =	sbr.rel @p0 .LBB2_1-.Ltmp3, $1  }
0x22e: {  	_ =	sdelay $0x3  }
0x22f: {  	_ =	sfence.sel $0x180000  }
0x230: {  	[bflag:$0x0] =	sbarrier.arrive $0xFFFF  }
0x231: {  	p0 =	sne.s32 s0, $0x0;
	_ =	strace $0x90000047  }
0x232: {  	s0 =	sadd.s32 @!p0 $0x100000, s3;
	[bflag:$0x2] =	sbarrier.arrive $0xFFFF  }
0x233: {  	[sflag:s0] =	ssyncadd.tile.s32 @!p0 $0x1;
	_ =	shalt  }
.Lfunc_end2:
_tile_overlayer_lowered:
.L_overlay_start_2:
0x234: {  	(tag) =	ssettag $0x2  }
0x235: {  	s0 =	rddreg [dreg:$0x0];
	s2 =	stileid.u32  }
0x236: {  	s1 =	rddreg [dreg:$0x1];
	p0 =	sne.s32 s2, $0x0  }
0x237: {  	s3 =	rddreg [dreg:$0x2];
	[bflag:$0x3] =	sbarrier.arrive $0xFFFF;
	s2 =	simm.s32 @!p0 $0x1C03  }
0x238: {  	[timem:s3], [sflag:s2] =	dma.local @!p0 [hbm:s0], s1  }
0x239: {  	s0 =	simm.s32 @!p0 $0x3  }
0x23a: {  	_ =	swait.ge @!p0 [sflag:s0], s1  }
0x23b: {  	s1 =	ssub.s32 @!p0 $0x0, s1;
	[sflag:s0] =	ssyncset.done @!p0 $0x0  }
0x23c: {  	[sflag:s0] =	ssyncadd.s32 @!p0 s1  }
0x23d: {  	[bflag:$0x3] =	sbarrier.arrive $0xFFFF  }
0x23e: {  	_ =	shalt  }

</sc_bundles>
